<compile_context>
chip_gen: v7x
topology: tpu7x:2x2x1
jax: 0.10.2.dev20260603
libtpu: 0.0.44.dev20260713+nightly
codegen_flags: <defaults>
</compile_context>

<pallas_src>
import functools

import jax
import jax.numpy as jnp
from jax import lax
from jax.experimental import pallas as pl
from jax.experimental.pallas import tpu as pltpu
from jax.experimental.pallas import tpu_sc as plsc

NC = 2
NS = 16
NW = NC * NS
K = 128
H = 8
C = 16
HC = H * C
NEG_SLOPE = 0.2


def _nrow(N):
    align = NS * 8
    return align * (-(-(N + 1) // align))



def _proj_body(x_ref, w_ref, as_ref, ad_ref, xs_ref, al_ref, ar_ref):
    xs = jnp.dot(x_ref[...], w_ref[...], preferred_element_type=jnp.float32)
    xs_ref[...] = xs
    red = (lax.broadcasted_iota(jnp.int32, (HC, HC), 0) // C ==
           lax.broadcasted_iota(jnp.int32, (HC, HC), 1)).astype(jnp.float32)
    al_ref[...] = jnp.dot(xs * as_ref[...], red, preferred_element_type=jnp.float32)
    ar_ref[...] = jnp.dot(xs * ad_ref[...], red, preferred_element_type=jnp.float32)


def _project(x, W_src, a_src_flat, a_dst_flat):
    N = x.shape[0]
    BLK = 1000
    grid = N // BLK
    return pl.pallas_call(
        _proj_body,
        grid=(grid,),
        in_specs=[
            pl.BlockSpec((BLK, HC), lambda i: (i, 0)),
            pl.BlockSpec((HC, HC), lambda i: (0, 0)),
            pl.BlockSpec((1, HC), lambda i: (0, 0)),
            pl.BlockSpec((1, HC), lambda i: (0, 0)),
        ],
        out_specs=[
            pl.BlockSpec((BLK, HC), lambda i: (i, 0)),
            pl.BlockSpec((BLK, HC), lambda i: (i, 0)),
            pl.BlockSpec((BLK, HC), lambda i: (i, 0)),
        ],
        out_shape=[
            jax.ShapeDtypeStruct((N, HC), jnp.float32),
            jax.ShapeDtypeStruct((N, HC), jnp.float32),
            jax.ShapeDtypeStruct((N, HC), jnp.float32),
        ],
    )(x, W_src, a_src_flat, a_dst_flat)



@functools.lru_cache(maxsize=None)
def _edge_kernel(N, KCH):
    NROW = _nrow(N)
    zrows = NROW // NS
    AFL = NROW * 16
    arows = AFL // NS
    SF = K * 8 + 16
    ZCH = 1024
    mesh = plsc.VectorSubcoreMesh(
        core_axis_name="c", subcore_axis_name="s", num_cores=NC, num_subcores=NS)

    @functools.partial(
        pl.kernel,
        out_type=(
            jax.ShapeDtypeStruct((NC, NROW, HC), jnp.float32),
            jax.ShapeDtypeStruct((NC, AFL), jnp.float32),
        ),
        mesh=mesh,
        scratch_types=[
            pltpu.VMEM((10, K), jnp.int32),
            pltpu.VMEM((K, HC), jnp.float32),
            pltpu.VMEM((K, HC), jnp.float32),
            pltpu.VMEM((SF,), jnp.float32),
            pltpu.VMEM_SHARED((NROW, HC), jnp.float32),
            pltpu.VMEM_SHARED((AFL,), jnp.float32),
            pltpu.SemaphoreType.DMA,
            pltpu.SemaphoreType.DMA,
        ],
    )
    def k(idxc_hbm, xs_hbm, al_hbm, ar_hbm, u_out, a_out,
          ixc, b1, b2, s_v, u_sp, a_sp, sem0, sem1):
        cid = lax.axis_index("c")
        sid = lax.axis_index("s")
        wid = sid * NC + cid

        zv16 = jnp.zeros((16,), jnp.float32)

        def zfill(t, _):
            b1[t // 8, pl.ds((t % 8) * 16, 16)] = zv16
            return 0
        lax.fori_loop(0, K * 8, zfill, 0)

        def zfill_f(i, _):
            s_v[pl.ds(i * 16, 16)] = zv16
            return 0
        lax.fori_loop(0, SF // 16, zfill_f, 0)

        zbase = zrows * sid
        nzf, nzr = zrows // K, zrows % K
        for f in range(nzf):
            pltpu.sync_copy(b1, u_sp.at[pl.ds(zbase + K * f, K)])
        if nzr:
            pltpu.sync_copy(b1.at[pl.ds(0, nzr)], u_sp.at[pl.ds(zbase + K * nzf, nzr)])

        abase = arows * sid
        naf, nar = arows // ZCH, arows % ZCH
        for f in range(naf):
            pltpu.sync_copy(s_v.at[pl.ds(0, ZCH)], a_sp.at[pl.ds(abase + ZCH * f, ZCH)])
        if nar:
            pltpu.sync_copy(s_v.at[pl.ds(0, nar)], a_sp.at[pl.ds(abase + ZCH * naf, nar)])

        plsc.subcore_barrier()

        def chunk(j, _):
            pltpu.async_copy(idxc_hbm.at[wid, j], ixc, sem0).wait()
            g0 = pltpu.async_copy(al_hbm.at[ixc.at[0]], b1, sem0)
            g1 = pltpu.async_copy(ar_hbm.at[ixc.at[1]], b2, sem1)
            g0.wait()
            g1.wait()

            def edge_s(e, _):
                a = b1[e, pl.ds(0, 16)] + b2[e, pl.ds(0, 16)]
                a = jnp.maximum(a, a * NEG_SLOPE)
                s_v[pl.ds(e * 8, 16)] = jnp.exp(a)
                return 0
            HK = K // 2
            lax.fori_loop(0, HK, edge_s, 0, unroll=4)
            gx0 = pltpu.async_copy(xs_hbm.at[ixc.at[0, pl.ds(0, HK)]],
                                   b1.at[pl.ds(0, HK)], sem0)
            lax.fori_loop(HK, K, edge_s, 0, unroll=4)
            gx1 = pltpu.async_copy(xs_hbm.at[ixc.at[0, pl.ds(HK, HK)]],
                                   b1.at[pl.ds(HK, HK)], sem0)
            adescs = [
                pltpu.async_copy(s_v.at[pl.ds(t * K, K)], a_sp.at[ixc.at[2 + t]],
                                 sem1, add=True)
                for t in range(8)
            ]
            gx0.wait()
            gx1.wait()

            def edge_m(e, _):
                sv = s_v[pl.ds(e * 8, 16)]
                for h in range(H):
                    b1[e, pl.ds(h * C, C)] = b1[e, pl.ds(h * C, C)] * sv[h]
                return 0
            lax.fori_loop(0, K, edge_m, 0, unroll=2)

            pltpu.sync_copy(b1, u_sp.at[ixc.at[1]], add=True)
            for d in adescs:
                d.wait()
            return 0
        lax.fori_loop(0, KCH, chunk, 0)

        plsc.subcore_barrier()

        pltpu.sync_copy(u_sp.at[pl.ds(zbase, zrows)], u_out.at[cid, pl.ds(zbase, zrows)])
        pltpu.sync_copy(a_sp.at[pl.ds(abase, arows)], a_out.at[cid, pl.ds(abase, arows)])

    return k



def _combine_body(u_ref, a_ref, b_ref, o_ref):
    usum = u_ref[0] + u_ref[1]
    asum = a_ref[0] + a_ref[1]
    r = 1.0 / (asum + 1e-16)
    expand = (lax.broadcasted_iota(jnp.int32, (16, HC), 0) ==
              lax.broadcasted_iota(jnp.int32, (16, HC), 1) // C).astype(jnp.float32)
    scale = jnp.dot(r, expand, preferred_element_type=jnp.float32)
    o_ref[...] = usum * scale + b_ref[...]


def _combine_call(U, A3, bias_row, N):
    BLK = 1000
    grid = N // BLK
    return pl.pallas_call(
        _combine_body,
        grid=(grid,),
        in_specs=[
            pl.BlockSpec((NC, BLK, HC), lambda i: (0, i, 0)),
            pl.BlockSpec((NC, BLK, 16), lambda i: (0, i, 0)),
            pl.BlockSpec((1, HC), lambda i: (0, 0)),
        ],
        out_specs=pl.BlockSpec((BLK, HC), lambda i: (i, 0)),
        out_shape=jax.ShapeDtypeStruct((N, HC), jnp.float32),
    )(U, A3, bias_row)



def kernel(x, edge_index, W_src, attn_src, attn_dst, bias):
    N = x.shape[0]
    E = edge_index.shape[1]
    Et = E + N
    NROW = _nrow(N)

    xs, al_w, ar_w = _project(
        x, W_src, attn_src.reshape(1, HC), attn_dst.reshape(1, HC))
    ar_p = jnp.pad(ar_w, ((0, NROW - N), (0, 0)))

    loops = jnp.arange(N, dtype=jnp.int32)
    src = jnp.concatenate([edge_index[0].astype(jnp.int32), loops])
    dst = jnp.concatenate([edge_index[1].astype(jnp.int32), loops])

    KCH = -(-Et // (NW * K))
    pad = NW * K * KCH - Et
    src = jnp.concatenate([src, jnp.zeros((pad,), jnp.int32)])
    dst = jnp.concatenate([dst, jnp.full((pad,), N, jnp.int32)])
    src_r = src.reshape(NW, KCH, 1, K)
    dst_r = dst.reshape(NW, KCH, 1, K)
    dlx = (dst[:, None] * 16 + jnp.arange(8, dtype=jnp.int32)[None, :])
    dlx_r = dlx.reshape(NW, KCH, 8, K)
    idxc = jnp.concatenate([src_r, dst_r, dlx_r], axis=2)

    U, A = _edge_kernel(N, KCH)(idxc, xs, al_w, ar_p)
    A3 = A.reshape(NC, NROW, 16)
    return _combine_call(U, A3, bias.reshape(1, HC), N)

# --- scband reference (transcript-rebuilt; emitter-appended) ---
"""Pipeline reference for scband-my-gatconv-48352741819137 (READ-ONLY COPY).

The authoritative reference and input builder live on the scoring server;
editing this copy changes nothing except your own understanding.
"""

import jax, jax.numpy as jnp
import numpy as np

N = 10000
E = 320000
IN = 128
H = 8
C = 16
NEG_SLOPE = 0.2


def setup_inputs(seed: int = 0) -> dict:
    key = jax.random.key(seed)
    k1, k2, k3, k4, k5 = jax.random.split(key, 5)
    x = jax.random.normal(k1, (N, IN), dtype=jnp.float32)
    edge_index = jax.random.randint(k2, (2, E), 0, N)
    W_src = jax.random.normal(k3, (IN, H * C), dtype=jnp.float32) * (1.0 / np.sqrt(IN))
    attn_src = jax.random.normal(k4, (1, H, C), dtype=jnp.float32) * 0.1
    attn_dst = jax.random.normal(k5, (1, H, C), dtype=jnp.float32) * 0.1
    bias = jnp.zeros((H * C,), dtype=jnp.float32)
    return {"x": x, "edge_index": edge_index, "W_src": W_src, "attn_src": attn_src, "attn_dst": attn_dst, "bias": bias}


def reference(x, edge_index, W_src, attn_src, attn_dst, bias):
    n = x.shape[0]
    # add_self_loops
    loops = jnp.arange(n, dtype=edge_index.dtype)
    ei = jnp.concatenate([edge_index, jnp.stack([loops, loops], axis=0)], axis=1)
    # flow = 'source to target' -> j=0 (src), i=1 (dst)
    src = ei[0]
    dst = ei[1]
    # lin_src (x is a single Tensor so x_src == x_dst)
    x_src = (x @ W_src).reshape(-1, H, C)
    alpha_l = (x_src * attn_src).sum(axis=-1)  # [N, H]
    alpha_r = (x_src * attn_dst).sum(axis=-1)  # [N, H]
    # gather per-edge
    a = alpha_l[src] + alpha_r[dst]  # [E+N, H]
    a = jax.nn.leaky_relu(a, NEG_SLOPE)
    # segment softmax over destination index
    amax = jax.ops.segment_max(a, dst, num_segments=n)
    aexp = jnp.exp(a - amax[dst])
    asum = jax.ops.segment_sum(aexp, dst, num_segments=n)
    alpha = aexp / (asum[dst] + 1e-16)
    # dropout p=0 in eval/with p=0 -> identity
    msg = x_src[src] * alpha[..., None]  # [E+N, H, C]
    out = jax.ops.segment_sum(msg, dst, num_segments=n)  # [N, H, C]
    out = out.reshape(-1, H * C)
    out = out + bias
    return out

if __name__ == "__main__":
    import jax
    _d = setup_inputs()
    print(jax.jit(kernel)(*tuple(_d.values())))

</pallas_src>

<mosaic_0001>
#map = affine_map<(d0, d1) -> (0, 0, 0, 0)>
#map1 = affine_map<(d0, d1) -> (0, 0)>
#map2 = affine_map<(d0, d1) -> (0, 0, 0)>
module attributes {stable_mosaic.version = 14 : i64} {
  func.func @k(%arg0: i32, %arg1: i32, %arg2: memref<32x81x10x128xi32, #tpu.memory_space<hbm>>, %arg3: memref<10000x128xf32, #tpu.memory_space<hbm>>, %arg4: memref<10000x128xf32, #tpu.memory_space<hbm>>, %arg5: memref<10112x128xf32, #tpu.memory_space<hbm>>, %arg6: memref<2x10112x128xf32, #tpu.memory_space<hbm>>, %arg7: memref<2x161792xf32, #tpu.memory_space<hbm>>, %arg8: memref<10x128xi32, #tpu.memory_space<vmem>>, %arg9: memref<128x128xf32, #tpu.memory_space<vmem>>, %arg10: memref<128x128xf32, #tpu.memory_space<vmem>>, %arg11: memref<1040xf32, #tpu.memory_space<vmem>>, %arg12: memref<10112x128xf32, #tpu.memory_space<vmem_shared>>, %arg13: memref<161792xf32, #tpu.memory_space<vmem_shared>>, %arg14: memref<!tpu.dma_semaphore, #tpu.memory_space<semaphore_mem>>, %arg15: memref<!tpu.dma_semaphore, #tpu.memory_space<semaphore_mem>>) attributes {dimension_semantics = [#tpu.dimension_semantics<core_parallel>, #tpu.dimension_semantics<subcore_parallel>], iteration_bounds = array<i64: 2, 16>, scalar_prefetch = 0 : i64, scratch_operands = 8 : i64, tpu.core_type = #tpu.core_type<sc_vector_subcore>, window_params = [{transform_indices = #map}, {transform_indices = #map1}, {transform_indices = #map1}, {transform_indices = #map1}, {transform_indices = #map2}, {transform_indices = #map1}]} {
    %mul3A = arith.constant 2 : i32
    %mul3A_0 = arith.muli %arg1, %mul3A : i32
    %add3A = arith.addi %mul3A_0, %arg0 : i32
    %broadcast_in_dim3A = arith.constant 0.000000e+00 : f32
    %broadcast_in_dim3A_1 = vector.broadcast %broadcast_in_dim3A : f32 to vector<16xf32>
    %scan3A = arith.constant 0 : i32
    %scan3A_2 = arith.constant 0 : i32
    %scan3A_3 = arith.constant 1024 : i32
    %scan3A_4 = arith.addi %scan3A_2, %scan3A_3 : i32
    %scan3A_5 = arith.constant 1 : i32
    %scan3A_6 = scf.for %scan3A_57 = %scan3A_2 to %scan3A_4 step %scan3A_5 iter_args(%scan3A_58 = %scan3A) -> (i32)  : i32 {
      %jit3A = arith.constant 8 : i32
      %div3A = arith.divsi %scan3A_57, %jit3A : i32
      %sign3A = arith.constant 0 : i32
      %sign3A_59 = arith.cmpi sgt, %scan3A_57, %sign3A : i32
      %sign3A_60 = arith.extui %sign3A_59 : i1 to i32
      %sign3A_61 = arith.constant 0 : i32
      %sign3A_62 = arith.cmpi slt, %scan3A_57, %sign3A_61 : i32
      %sign3A_63 = arith.extui %sign3A_62 : i1 to i32
      %sign3A_64 = arith.subi %sign3A_60, %sign3A_63 : i32
      %sign3A_65 = arith.constant 0 : i32
      %sign3A_66 = arith.cmpi sgt, %jit3A, %sign3A_65 : i32
      %sign3A_67 = arith.extui %sign3A_66 : i1 to i32
      %sign3A_68 = arith.constant 0 : i32
      %sign3A_69 = arith.cmpi slt, %jit3A, %sign3A_68 : i32
      %sign3A_70 = arith.extui %sign3A_69 : i1 to i32
      %sign3A_71 = arith.subi %sign3A_67, %sign3A_70 : i32
      %ne3A = arith.cmpi ne, %sign3A_64, %sign3A_71 : i32
      %rem3A = arith.remsi %scan3A_57, %jit3A : i32
      %ne3A_72 = arith.constant 0 : i32
      %ne3A_73 = arith.cmpi ne, %rem3A, %ne3A_72 : i32
      %and3A = arith.andi %ne3A, %ne3A_73 : i1
      %sub3A = arith.constant 1 : i32
      %sub3A_74 = arith.subi %div3A, %sub3A : i32
      %select_n3A = arith.select %and3A, %sub3A_74, %div3A : i32
      %jit3A_75 = arith.constant 8 : i32
      %eq3A = arith.constant 0 : i32
      %eq3A_76 = arith.cmpi eq, %jit3A_75, %eq3A : i32
      %jit3A_77 = arith.constant 1 : i32
      %select_n3A_78 = arith.select %eq3A_76, %jit3A_77, %jit3A_75 : i32
      %rem3A_79 = arith.remsi %scan3A_57, %select_n3A_78 : i32
      %ne3A_80 = arith.constant 0 : i32
      %ne3A_81 = arith.cmpi ne, %rem3A_79, %ne3A_80 : i32
      %lt3A = arith.constant 0 : i32
      %lt3A_82 = arith.cmpi slt, %rem3A_79, %lt3A : i32
      %lt3A_83 = arith.constant 0 : i32
      %lt3A_84 = arith.cmpi slt, %select_n3A_78, %lt3A_83 : i32
      %ne3A_85 = arith.xori %lt3A_82, %lt3A_84 : i1
      %and3A_86 = arith.andi %ne3A_85, %ne3A_81 : i1
      %add3A_87 = arith.addi %rem3A_79, %select_n3A_78 : i32
      %select_n3A_88 = arith.select %and3A_86, %add3A_87, %rem3A_79 : i32
      %mul3A_89 = arith.constant 16 : i32
      %mul3A_90 = arith.muli %select_n3A_88, %mul3A_89 : i32
      %swap3A = arith.index_cast %select_n3A : i32 to index
      %swap3A_91 = arith.index_cast %mul3A_90 : i32 to index
      %swap3A_92 = tpu.vector_load %arg9[%swap3A, %swap3A_91] {strides = array<i32>} : memref<128x128xf32, #tpu.memory_space<vmem>>, vector<1x16xf32>,
      %swap3A_93 = vector.shape_cast %swap3A_92 : vector<1x16xf32> to vector<16xf32>
      %swap3A_94 = vector.shape_cast %broadcast_in_dim3A_1 : vector<16xf32> to vector<1x16xf32>
      tpu.vector_store %arg9[%swap3A, %swap3A_91], %swap3A_94 {strides = array<i32>} : memref<128x128xf32, #tpu.memory_space<vmem>>, vector<1x16xf32>,
      %scan3A_95 = arith.constant 0 : i32
      scf.yield %scan3A_95 : i32
    }
    %scan3A_7 = arith.constant 1024 : i32
    %scan3A_8 = arith.constant 0 : i32
    %scan3A_9 = arith.constant 0 : i32
    %scan3A_10 = arith.constant 65 : i32
    %scan3A_11 = arith.addi %scan3A_9, %scan3A_10 : i32
    %scan3A_12 = arith.constant 1 : i32
    %scan3A_13 = scf.for %scan3A_57 = %scan3A_9 to %scan3A_11 step %scan3A_12 iter_args(%scan3A_58 = %scan3A_8) -> (i32)  : i32 {
      %mul3A_59 = arith.constant 16 : i32
      %mul3A_60 = arith.muli %scan3A_57, %mul3A_59 : i32
      %swap3A = arith.index_cast %mul3A_60 : i32 to index
      %swap3A_61 = tpu.vector_load %arg11[%swap3A] {strides = array<i32>} : memref<1040xf32, #tpu.memory_space<vmem>>, vector<16xf32>,
      %swap3A_62 = vector.shape_cast %swap3A_61 : vector<16xf32> to vector<16xf32>
      %swap3A_63 = vector.shape_cast %broadcast_in_dim3A_1 : vector<16xf32> to vector<16xf32>
      tpu.vector_store %arg11[%swap3A], %swap3A_63 {strides = array<i32>} : memref<1040xf32, #tpu.memory_space<vmem>>, vector<16xf32>,
      %scan3A_64 = arith.constant 0 : i32
      scf.yield %scan3A_64 : i32
    }
    %scan3A_14 = arith.constant 65 : i32
    %mul3A_15 = arith.constant 632 : i32
    %mul3A_16 = arith.muli %mul3A_15, %arg1 : i32
    %add3A_17 = arith.constant 0 : i32
    %add3A_18 = arith.addi %mul3A_16, %add3A_17 : i32
    "tpu.region"() ({
      %run_scoped3A = tpu.sem_alloc : memref<!tpu.dma_semaphore, #tpu.memory_space<semaphore_mem>>
      %dma_start3A = arith.constant 0 : i32
      %dma_start3A_57 = tpu.memref_slice %arg12[%add3A_18, %dma_start3A] : memref<10112x128xf32, #tpu.memory_space<vmem_shared>> -> memref<128x128xf32, #tpu.memory_space<vmem_shared>>
      %dma_start3A_58 = arith.constant 0 : i32
      %dma_start3A_59 = tpu.memref_slice %arg12[%add3A_18, %dma_start3A_58] : memref<10112x128xf32, #tpu.memory_space<vmem_shared>> -> memref<128x128xf32, #tpu.memory_space<vmem_shared>>
      tpu.enqueue_dma source(%arg9 : memref<128x128xf32, #tpu.memory_space<vmem>>) target(%dma_start3A_59 : memref<128x128xf32, #tpu.memory_space<vmem_shared>>) target_semaphore(%run_scoped3A : memref<!tpu.dma_semaphore, #tpu.memory_space<semaphore_mem>>)
      %dma_wait3A = arith.constant 0 : i32
      %dma_wait3A_60 = tpu.memref_slice %arg12[%add3A_18, %dma_wait3A] : memref<10112x128xf32, #tpu.memory_space<vmem_shared>> -> memref<128x128xf32, #tpu.memory_space<vmem_shared>>
      %dma_wait3A_61 = arith.constant 0 : i32
      %dma_wait3A_62 = tpu.memref_slice %arg12[%add3A_18, %dma_wait3A_61] : memref<10112x128xf32, #tpu.memory_space<vmem_shared>> -> memref<128x128xf32, #tpu.memory_space<vmem_shared>>
      tpu.wait_dma2 semaphore(%run_scoped3A : memref<!tpu.dma_semaphore, #tpu.memory_space<semaphore_mem>>) src(%arg9 : memref<128x128xf32, #tpu.memory_space<vmem>>) dst(%dma_wait3A_62 : memref<128x128xf32, #tpu.memory_space<vmem_shared>>)
      tpu.yield
    }) : () -> ()
    %add3A_19 = arith.constant 128 : i32
    %add3A_20 = arith.addi %mul3A_16, %add3A_19 : i32
    "tpu.region"() ({
      %run_scoped3A = tpu.sem_alloc : memref<!tpu.dma_semaphore, #tpu.memory_space<semaphore_mem>>
      %dma_start3A = arith.constant 0 : i32
      %dma_start3A_57 = tpu.memref_slice %arg12[%add3A_20, %dma_start3A] : memref<10112x128xf32, #tpu.memory_space<vmem_shared>> -> memref<128x128xf32, #tpu.memory_space<vmem_shared>>
      %dma_start3A_58 = arith.constant 0 : i32
      %dma_start3A_59 = tpu.memref_slice %arg12[%add3A_20, %dma_start3A_58] : memref<10112x128xf32, #tpu.memory_space<vmem_shared>> -> memref<128x128xf32, #tpu.memory_space<vmem_shared>>
      tpu.enqueue_dma source(%arg9 : memref<128x128xf32, #tpu.memory_space<vmem>>) target(%dma_start3A_59 : memref<128x128xf32, #tpu.memory_space<vmem_shared>>) target_semaphore(%run_scoped3A : memref<!tpu.dma_semaphore, #tpu.memory_space<semaphore_mem>>)
      %dma_wait3A = arith.constant 0 : i32
      %dma_wait3A_60 = tpu.memref_slice %arg12[%add3A_20, %dma_wait3A] : memref<10112x128xf32, #tpu.memory_space<vmem_shared>> -> memref<128x128xf32, #tpu.memory_space<vmem_shared>>
      %dma_wait3A_61 = arith.constant 0 : i32
      %dma_wait3A_62 = tpu.memref_slice %arg12[%add3A_20, %dma_wait3A_61] : memref<10112x128xf32, #tpu.memory_space<vmem_shared>> -> memref<128x128xf32, #tpu.memory_space<vmem_shared>>
      tpu.wait_dma2 semaphore(%run_scoped3A : memref<!tpu.dma_semaphore, #tpu.memory_space<semaphore_mem>>) src(%arg9 : memref<128x128xf32, #tpu.memory_space<vmem>>) dst(%dma_wait3A_62 : memref<128x128xf32, #tpu.memory_space<vmem_shared>>)
      tpu.yield
    }) : () -> ()
    %add3A_21 = arith.constant 256 : i32
    %add3A_22 = arith.addi %mul3A_16, %add3A_21 : i32
    "tpu.region"() ({
      %run_scoped3A = tpu.sem_alloc : memref<!tpu.dma_semaphore, #tpu.memory_space<semaphore_mem>>
      %dma_start3A = arith.constant 0 : i32
      %dma_start3A_57 = tpu.memref_slice %arg12[%add3A_22, %dma_start3A] : memref<10112x128xf32, #tpu.memory_space<vmem_shared>> -> memref<128x128xf32, #tpu.memory_space<vmem_shared>>
      %dma_start3A_58 = arith.constant 0 : i32
      %dma_start3A_59 = tpu.memref_slice %arg12[%add3A_22, %dma_start3A_58] : memref<10112x128xf32, #tpu.memory_space<vmem_shared>> -> memref<128x128xf32, #tpu.memory_space<vmem_shared>>
      tpu.enqueue_dma source(%arg9 : memref<128x128xf32, #tpu.memory_space<vmem>>) target(%dma_start3A_59 : memref<128x128xf32, #tpu.memory_space<vmem_shared>>) target_semaphore(%run_scoped3A : memref<!tpu.dma_semaphore, #tpu.memory_space<semaphore_mem>>)
      %dma_wait3A = arith.constant 0 : i32
      %dma_wait3A_60 = tpu.memref_slice %arg12[%add3A_22, %dma_wait3A] : memref<10112x128xf32, #tpu.memory_space<vmem_shared>> -> memref<128x128xf32, #tpu.memory_space<vmem_shared>>
      %dma_wait3A_61 = arith.constant 0 : i32
      %dma_wait3A_62 = tpu.memref_slice %arg12[%add3A_22, %dma_wait3A_61] : memref<10112x128xf32, #tpu.memory_space<vmem_shared>> -> memref<128x128xf32, #tpu.memory_space<vmem_shared>>
      tpu.wait_dma2 semaphore(%run_scoped3A : memref<!tpu.dma_semaphore, #tpu.memory_space<semaphore_mem>>) src(%arg9 : memref<128x128xf32, #tpu.memory_space<vmem>>) dst(%dma_wait3A_62 : memref<128x128xf32, #tpu.memory_space<vmem_shared>>)
      tpu.yield
    }) : () -> ()
    %add3A_23 = arith.constant 384 : i32
    %add3A_24 = arith.addi %mul3A_16, %add3A_23 : i32
    "tpu.region"() ({
      %run_scoped3A = tpu.sem_alloc : memref<!tpu.dma_semaphore, #tpu.memory_space<semaphore_mem>>
      %dma_start3A = arith.constant 0 : i32
      %dma_start3A_57 = tpu.memref_slice %arg12[%add3A_24, %dma_start3A] : memref<10112x128xf32, #tpu.memory_space<vmem_shared>> -> memref<128x128xf32, #tpu.memory_space<vmem_shared>>
      %dma_start3A_58 = arith.constant 0 : i32
      %dma_start3A_59 = tpu.memref_slice %arg12[%add3A_24, %dma_start3A_58] : memref<10112x128xf32, #tpu.memory_space<vmem_shared>> -> memref<128x128xf32, #tpu.memory_space<vmem_shared>>
      tpu.enqueue_dma source(%arg9 : memref<128x128xf32, #tpu.memory_space<vmem>>) target(%dma_start3A_59 : memref<128x128xf32, #tpu.memory_space<vmem_shared>>) target_semaphore(%run_scoped3A : memref<!tpu.dma_semaphore, #tpu.memory_space<semaphore_mem>>)
      %dma_wait3A = arith.constant 0 : i32
      %dma_wait3A_60 = tpu.memref_slice %arg12[%add3A_24, %dma_wait3A] : memref<10112x128xf32, #tpu.memory_space<vmem_shared>> -> memref<128x128xf32, #tpu.memory_space<vmem_shared>>
      %dma_wait3A_61 = arith.constant 0 : i32
      %dma_wait3A_62 = tpu.memref_slice %arg12[%add3A_24, %dma_wait3A_61] : memref<10112x128xf32, #tpu.memory_space<vmem_shared>> -> memref<128x128xf32, #tpu.memory_space<vmem_shared>>
      tpu.wait_dma2 semaphore(%run_scoped3A : memref<!tpu.dma_semaphore, #tpu.memory_space<semaphore_mem>>) src(%arg9 : memref<128x128xf32, #tpu.memory_space<vmem>>) dst(%dma_wait3A_62 : memref<128x128xf32, #tpu.memory_space<vmem_shared>>)
      tpu.yield
    }) : () -> ()
    %add3A_25 = arith.constant 512 : i32
    %add3A_26 = arith.addi %mul3A_16, %add3A_25 : i32
    "tpu.region"() ({
      %run_scoped3A = tpu.sem_alloc : memref<!tpu.dma_semaphore, #tpu.memory_space<semaphore_mem>>
      %dma_start3A = arith.constant 0 : i32
      %dma_start3A_57 = arith.constant 0 : i32
      %dma_start3A_58 = tpu.memref_slice %arg9[%dma_start3A, %dma_start3A_57] : memref<128x128xf32, #tpu.memory_space<vmem>> -> memref<120x128xf32, #tpu.memory_space<vmem>>
      %dma_start3A_59 = arith.constant 0 : i32
      %dma_start3A_60 = tpu.memref_slice %arg12[%add3A_26, %dma_start3A_59] : memref<10112x128xf32, #tpu.memory_space<vmem_shared>> -> memref<120x128xf32, #tpu.memory_space<vmem_shared>>
      %dma_start3A_61 = arith.constant 0 : i32
      %dma_start3A_62 = tpu.memref_slice %arg12[%add3A_26, %dma_start3A_61] : memref<10112x128xf32, #tpu.memory_space<vmem_shared>> -> memref<120x128xf32, #tpu.memory_space<vmem_shared>>
      %dma_start3A_63 = arith.constant 0 : i32
      %dma_start3A_64 = arith.constant 0 : i32
      %dma_start3A_65 = tpu.memref_slice %arg9[%dma_start3A_63, %dma_start3A_64] : memref<128x128xf32, #tpu.memory_space<vmem>> -> memref<120x128xf32, #tpu.memory_space<vmem>>
      tpu.enqueue_dma source(%dma_start3A_65 : memref<120x128xf32, #tpu.memory_space<vmem>>) target(%dma_start3A_62 : memref<120x128xf32, #tpu.memory_space<vmem_shared>>) target_semaphore(%run_scoped3A : memref<!tpu.dma_semaphore, #tpu.memory_space<semaphore_mem>>)
      %dma_wait3A = arith.constant 0 : i32
      %dma_wait3A_66 = arith.constant 0 : i32
      %dma_wait3A_67 = tpu.memref_slice %arg9[%dma_wait3A, %dma_wait3A_66] : memref<128x128xf32, #tpu.memory_space<vmem>> -> memref<120x128xf32, #tpu.memory_space<vmem>>
      %dma_wait3A_68 = arith.constant 0 : i32
      %dma_wait3A_69 = tpu.memref_slice %arg12[%add3A_26, %dma_wait3A_68] : memref<10112x128xf32, #tpu.memory_space<vmem_shared>> -> memref<120x128xf32, #tpu.memory_space<vmem_shared>>
      %dma_wait3A_70 = arith.constant 0 : i32
      %dma_wait3A_71 = tpu.memref_slice %arg12[%add3A_26, %dma_wait3A_70] : memref<10112x128xf32, #tpu.memory_space<vmem_shared>> -> memref<120x128xf32, #tpu.memory_space<vmem_shared>>
      %dma_wait3A_72 = arith.constant 0 : i32
      %dma_wait3A_73 = arith.constant 0 : i32
      %dma_wait3A_74 = tpu.memref_slice %arg9[%dma_wait3A_72, %dma_wait3A_73] : memref<128x128xf32, #tpu.memory_space<vmem>> -> memref<120x128xf32, #tpu.memory_space<vmem>>
      tpu.wait_dma2 semaphore(%run_scoped3A : memref<!tpu.dma_semaphore, #tpu.memory_space<semaphore_mem>>) src(%dma_wait3A_74 : memref<120x128xf32, #tpu.memory_space<vmem>>) dst(%dma_wait3A_71 : memref<120x128xf32, #tpu.memory_space<vmem_shared>>)
      tpu.yield
    }) : () -> ()
    %mul3A_27 = arith.constant 10112 : i32
    %mul3A_28 = arith.muli %mul3A_27, %arg1 : i32
    %add3A_29 = arith.constant 0 : i32
    %add3A_30 = arith.addi %mul3A_28, %add3A_29 : i32
    "tpu.region"() ({
      %run_scoped3A = tpu.sem_alloc : memref<!tpu.dma_semaphore, #tpu.memory_space<semaphore_mem>>
      %dma_start3A = arith.constant 0 : i32
      %dma_start3A_57 = tpu.memref_slice %arg11[%dma_start3A] : memref<1040xf32, #tpu.memory_space<vmem>> -> memref<1024xf32, #tpu.memory_space<vmem>>
      %dma_start3A_58 = tpu.memref_slice %arg13[%add3A_30] : memref<161792xf32, #tpu.memory_space<vmem_shared>> -> memref<1024xf32, #tpu.memory_space<vmem_shared>>
      %dma_start3A_59 = tpu.memref_slice %arg13[%add3A_30] : memref<161792xf32, #tpu.memory_space<vmem_shared>> -> memref<1024xf32, #tpu.memory_space<vmem_shared>>
      %dma_start3A_60 = arith.constant 0 : i32
      %dma_start3A_61 = tpu.memref_slice %arg11[%dma_start3A_60] : memref<1040xf32, #tpu.memory_space<vmem>> -> memref<1024xf32, #tpu.memory_space<vmem>>
      tpu.enqueue_dma source(%dma_start3A_61 : memref<1024xf32, #tpu.memory_space<vmem>>) target(%dma_start3A_59 : memref<1024xf32, #tpu.memory_space<vmem_shared>>) target_semaphore(%run_scoped3A : memref<!tpu.dma_semaphore, #tpu.memory_space<semaphore_mem>>)
      %dma_wait3A = arith.constant 0 : i32
      %dma_wait3A_62 = tpu.memref_slice %arg11[%dma_wait3A] : memref<1040xf32, #tpu.memory_space<vmem>> -> memref<1024xf32, #tpu.memory_space<vmem>>
      %dma_wait3A_63 = tpu.memref_slice %arg13[%add3A_30] : memref<161792xf32, #tpu.memory_space<vmem_shared>> -> memref<1024xf32, #tpu.memory_space<vmem_shared>>
      %dma_wait3A_64 = tpu.memref_slice %arg13[%add3A_30] : memref<161792xf32, #tpu.memory_space<vmem_shared>> -> memref<1024xf32, #tpu.memory_space<vmem_shared>>
      %dma_wait3A_65 = arith.constant 0 : i32
      %dma_wait3A_66 = tpu.memref_slice %arg11[%dma_wait3A_65] : memref<1040xf32, #tpu.memory_space<vmem>> -> memref<1024xf32, #tpu.memory_space<vmem>>
      tpu.wait_dma2 semaphore(%run_scoped3A : memref<!tpu.dma_semaphore, #tpu.memory_space<semaphore_mem>>) src(%dma_wait3A_66 : memref<1024xf32, #tpu.memory_space<vmem>>) dst(%dma_wait3A_64 : memref<1024xf32, #tpu.memory_space<vmem_shared>>)
      tpu.yield
    }) : () -> ()
    %add3A_31 = arith.constant 1024 : i32
    %add3A_32 = arith.addi %mul3A_28, %add3A_31 : i32
    "tpu.region"() ({
      %run_scoped3A = tpu.sem_alloc : memref<!tpu.dma_semaphore, #tpu.memory_space<semaphore_mem>>
      %dma_start3A = arith.constant 0 : i32
      %dma_start3A_57 = tpu.memref_slice %arg11[%dma_start3A] : memref<1040xf32, #tpu.memory_space<vmem>> -> memref<1024xf32, #tpu.memory_space<vmem>>
      %dma_start3A_58 = tpu.memref_slice %arg13[%add3A_32] : memref<161792xf32, #tpu.memory_space<vmem_shared>> -> memref<1024xf32, #tpu.memory_space<vmem_shared>>
      %dma_start3A_59 = tpu.memref_slice %arg13[%add3A_32] : memref<161792xf32, #tpu.memory_space<vmem_shared>> -> memref<1024xf32, #tpu.memory_space<vmem_shared>>
      %dma_start3A_60 = arith.constant 0 : i32
      %dma_start3A_61 = tpu.memref_slice %arg11[%dma_start3A_60] : memref<1040xf32, #tpu.memory_space<vmem>> -> memref<1024xf32, #tpu.memory_space<vmem>>
      tpu.enqueue_dma source(%dma_start3A_61 : memref<1024xf32, #tpu.memory_space<vmem>>) target(%dma_start3A_59 : memref<1024xf32, #tpu.memory_space<vmem_shared>>) target_semaphore(%run_scoped3A : memref<!tpu.dma_semaphore, #tpu.memory_space<semaphore_mem>>)
      %dma_wait3A = arith.constant 0 : i32
      %dma_wait3A_62 = tpu.memref_slice %arg11[%dma_wait3A] : memref<1040xf32, #tpu.memory_space<vmem>> -> memref<1024xf32, #tpu.memory_space<vmem>>
      %dma_wait3A_63 = tpu.memref_slice %arg13[%add3A_32] : memref<161792xf32, #tpu.memory_space<vmem_shared>> -> memref<1024xf32, #tpu.memory_space<vmem_shared>>
      %dma_wait3A_64 = tpu.memref_slice %arg13[%add3A_32] : memref<161792xf32, #tpu.memory_space<vmem_shared>> -> memref<1024xf32, #tpu.memory_space<vmem_shared>>
      %dma_wait3A_65 = arith.constant 0 : i32
      %dma_wait3A_66 = tpu.memref_slice %arg11[%dma_wait3A_65] : memref<1040xf32, #tpu.memory_space<vmem>> -> memref<1024xf32, #tpu.memory_space<vmem>>
      tpu.wait_dma2 semaphore(%run_scoped3A : memref<!tpu.dma_semaphore, #tpu.memory_space<semaphore_mem>>) src(%dma_wait3A_66 : memref<1024xf32, #tpu.memory_space<vmem>>) dst(%dma_wait3A_64 : memref<1024xf32, #tpu.memory_space<vmem_shared>>)
      tpu.yield
    }) : () -> ()
    %add3A_33 = arith.constant 2048 : i32
    %add3A_34 = arith.addi %mul3A_28, %add3A_33 : i32
    "tpu.region"() ({
      %run_scoped3A = tpu.sem_alloc : memref<!tpu.dma_semaphore, #tpu.memory_space<semaphore_mem>>
      %dma_start3A = arith.constant 0 : i32
      %dma_start3A_57 = tpu.memref_slice %arg11[%dma_start3A] : memref<1040xf32, #tpu.memory_space<vmem>> -> memref<1024xf32, #tpu.memory_space<vmem>>
      %dma_start3A_58 = tpu.memref_slice %arg13[%add3A_34] : memref<161792xf32, #tpu.memory_space<vmem_shared>> -> memref<1024xf32, #tpu.memory_space<vmem_shared>>
      %dma_start3A_59 = tpu.memref_slice %arg13[%add3A_34] : memref<161792xf32, #tpu.memory_space<vmem_shared>> -> memref<1024xf32, #tpu.memory_space<vmem_shared>>
      %dma_start3A_60 = arith.constant 0 : i32
      %dma_start3A_61 = tpu.memref_slice %arg11[%dma_start3A_60] : memref<1040xf32, #tpu.memory_space<vmem>> -> memref<1024xf32, #tpu.memory_space<vmem>>
      tpu.enqueue_dma source(%dma_start3A_61 : memref<1024xf32, #tpu.memory_space<vmem>>) target(%dma_start3A_59 : memref<1024xf32, #tpu.memory_space<vmem_shared>>) target_semaphore(%run_scoped3A : memref<!tpu.dma_semaphore, #tpu.memory_space<semaphore_mem>>)
      %dma_wait3A = arith.constant 0 : i32
      %dma_wait3A_62 = tpu.memref_slice %arg11[%dma_wait3A] : memref<1040xf32, #tpu.memory_space<vmem>> -> memref<1024xf32, #tpu.memory_space<vmem>>
      %dma_wait3A_63 = tpu.memref_slice %arg13[%add3A_34] : memref<161792xf32, #tpu.memory_space<vmem_shared>> -> memref<1024xf32, #tpu.memory_space<vmem_shared>>
      %dma_wait3A_64 = tpu.memref_slice %arg13[%add3A_34] : memref<161792xf32, #tpu.memory_space<vmem_shared>> -> memref<1024xf32, #tpu.memory_space<vmem_shared>>
      %dma_wait3A_65 = arith.constant 0 : i32
      %dma_wait3A_66 = tpu.memref_slice %arg11[%dma_wait3A_65] : memref<1040xf32, #tpu.memory_space<vmem>> -> memref<1024xf32, #tpu.memory_space<vmem>>
      tpu.wait_dma2 semaphore(%run_scoped3A : memref<!tpu.dma_semaphore, #tpu.memory_space<semaphore_mem>>) src(%dma_wait3A_66 : memref<1024xf32, #tpu.memory_space<vmem>>) dst(%dma_wait3A_64 : memref<1024xf32, #tpu.memory_space<vmem_shared>>)
      tpu.yield
    }) : () -> ()
    %add3A_35 = arith.constant 3072 : i32
    %add3A_36 = arith.addi %mul3A_28, %add3A_35 : i32
    "tpu.region"() ({
      %run_scoped3A = tpu.sem_alloc : memref<!tpu.dma_semaphore, #tpu.memory_space<semaphore_mem>>
      %dma_start3A = arith.constant 0 : i32
      %dma_start3A_57 = tpu.memref_slice %arg11[%dma_start3A] : memref<1040xf32, #tpu.memory_space<vmem>> -> memref<1024xf32, #tpu.memory_space<vmem>>
      %dma_start3A_58 = tpu.memref_slice %arg13[%add3A_36] : memref<161792xf32, #tpu.memory_space<vmem_shared>> -> memref<1024xf32, #tpu.memory_space<vmem_shared>>
      %dma_start3A_59 = tpu.memref_slice %arg13[%add3A_36] : memref<161792xf32, #tpu.memory_space<vmem_shared>> -> memref<1024xf32, #tpu.memory_space<vmem_shared>>
      %dma_start3A_60 = arith.constant 0 : i32
      %dma_start3A_61 = tpu.memref_slice %arg11[%dma_start3A_60] : memref<1040xf32, #tpu.memory_space<vmem>> -> memref<1024xf32, #tpu.memory_space<vmem>>
      tpu.enqueue_dma source(%dma_start3A_61 : memref<1024xf32, #tpu.memory_space<vmem>>) target(%dma_start3A_59 : memref<1024xf32, #tpu.memory_space<vmem_shared>>) target_semaphore(%run_scoped3A : memref<!tpu.dma_semaphore, #tpu.memory_space<semaphore_mem>>)
      %dma_wait3A = arith.constant 0 : i32
      %dma_wait3A_62 = tpu.memref_slice %arg11[%dma_wait3A] : memref<1040xf32, #tpu.memory_space<vmem>> -> memref<1024xf32, #tpu.memory_space<vmem>>
      %dma_wait3A_63 = tpu.memref_slice %arg13[%add3A_36] : memref<161792xf32, #tpu.memory_space<vmem_shared>> -> memref<1024xf32, #tpu.memory_space<vmem_shared>>
      %dma_wait3A_64 = tpu.memref_slice %arg13[%add3A_36] : memref<161792xf32, #tpu.memory_space<vmem_shared>> -> memref<1024xf32, #tpu.memory_space<vmem_shared>>
      %dma_wait3A_65 = arith.constant 0 : i32
      %dma_wait3A_66 = tpu.memref_slice %arg11[%dma_wait3A_65] : memref<1040xf32, #tpu.memory_space<vmem>> -> memref<1024xf32, #tpu.memory_space<vmem>>
      tpu.wait_dma2 semaphore(%run_scoped3A : memref<!tpu.dma_semaphore, #tpu.memory_space<semaphore_mem>>) src(%dma_wait3A_66 : memref<1024xf32, #tpu.memory_space<vmem>>) dst(%dma_wait3A_64 : memref<1024xf32, #tpu.memory_space<vmem_shared>>)
      tpu.yield
    }) : () -> ()
    %add3A_37 = arith.constant 4096 : i32
    %add3A_38 = arith.addi %mul3A_28, %add3A_37 : i32
    "tpu.region"() ({
      %run_scoped3A = tpu.sem_alloc : memref<!tpu.dma_semaphore, #tpu.memory_space<semaphore_mem>>
      %dma_start3A = arith.constant 0 : i32
      %dma_start3A_57 = tpu.memref_slice %arg11[%dma_start3A] : memref<1040xf32, #tpu.memory_space<vmem>> -> memref<1024xf32, #tpu.memory_space<vmem>>
      %dma_start3A_58 = tpu.memref_slice %arg13[%add3A_38] : memref<161792xf32, #tpu.memory_space<vmem_shared>> -> memref<1024xf32, #tpu.memory_space<vmem_shared>>
      %dma_start3A_59 = tpu.memref_slice %arg13[%add3A_38] : memref<161792xf32, #tpu.memory_space<vmem_shared>> -> memref<1024xf32, #tpu.memory_space<vmem_shared>>
      %dma_start3A_60 = arith.constant 0 : i32
      %dma_start3A_61 = tpu.memref_slice %arg11[%dma_start3A_60] : memref<1040xf32, #tpu.memory_space<vmem>> -> memref<1024xf32, #tpu.memory_space<vmem>>
      tpu.enqueue_dma source(%dma_start3A_61 : memref<1024xf32, #tpu.memory_space<vmem>>) target(%dma_start3A_59 : memref<1024xf32, #tpu.memory_space<vmem_shared>>) target_semaphore(%run_scoped3A : memref<!tpu.dma_semaphore, #tpu.memory_space<semaphore_mem>>)
      %dma_wait3A = arith.constant 0 : i32
      %dma_wait3A_62 = tpu.memref_slice %arg11[%dma_wait3A] : memref<1040xf32, #tpu.memory_space<vmem>> -> memref<1024xf32, #tpu.memory_space<vmem>>
      %dma_wait3A_63 = tpu.memref_slice %arg13[%add3A_38] : memref<161792xf32, #tpu.memory_space<vmem_shared>> -> memref<1024xf32, #tpu.memory_space<vmem_shared>>
      %dma_wait3A_64 = tpu.memref_slice %arg13[%add3A_38] : memref<161792xf32, #tpu.memory_space<vmem_shared>> -> memref<1024xf32, #tpu.memory_space<vmem_shared>>
      %dma_wait3A_65 = arith.constant 0 : i32
      %dma_wait3A_66 = tpu.memref_slice %arg11[%dma_wait3A_65] : memref<1040xf32, #tpu.memory_space<vmem>> -> memref<1024xf32, #tpu.memory_space<vmem>>
      tpu.wait_dma2 semaphore(%run_scoped3A : memref<!tpu.dma_semaphore, #tpu.memory_space<semaphore_mem>>) src(%dma_wait3A_66 : memref<1024xf32, #tpu.memory_space<vmem>>) dst(%dma_wait3A_64 : memref<1024xf32, #tpu.memory_space<vmem_shared>>)
      tpu.yield
    }) : () -> ()
    %add3A_39 = arith.constant 5120 : i32
    %add3A_40 = arith.addi %mul3A_28, %add3A_39 : i32
    "tpu.region"() ({
      %run_scoped3A = tpu.sem_alloc : memref<!tpu.dma_semaphore, #tpu.memory_space<semaphore_mem>>
      %dma_start3A = arith.constant 0 : i32
      %dma_start3A_57 = tpu.memref_slice %arg11[%dma_start3A] : memref<1040xf32, #tpu.memory_space<vmem>> -> memref<1024xf32, #tpu.memory_space<vmem>>
      %dma_start3A_58 = tpu.memref_slice %arg13[%add3A_40] : memref<161792xf32, #tpu.memory_space<vmem_shared>> -> memref<1024xf32, #tpu.memory_space<vmem_shared>>
      %dma_start3A_59 = tpu.memref_slice %arg13[%add3A_40] : memref<161792xf32, #tpu.memory_space<vmem_shared>> -> memref<1024xf32, #tpu.memory_space<vmem_shared>>
      %dma_start3A_60 = arith.constant 0 : i32
      %dma_start3A_61 = tpu.memref_slice %arg11[%dma_start3A_60] : memref<1040xf32, #tpu.memory_space<vmem>> -> memref<1024xf32, #tpu.memory_space<vmem>>
      tpu.enqueue_dma source(%dma_start3A_61 : memref<1024xf32, #tpu.memory_space<vmem>>) target(%dma_start3A_59 : memref<1024xf32, #tpu.memory_space<vmem_shared>>) target_semaphore(%run_scoped3A : memref<!tpu.dma_semaphore, #tpu.memory_space<semaphore_mem>>)
      %dma_wait3A = arith.constant 0 : i32
      %dma_wait3A_62 = tpu.memref_slice %arg11[%dma_wait3A] : memref<1040xf32, #tpu.memory_space<vmem>> -> memref<1024xf32, #tpu.memory_space<vmem>>
      %dma_wait3A_63 = tpu.memref_slice %arg13[%add3A_40] : memref<161792xf32, #tpu.memory_space<vmem_shared>> -> memref<1024xf32, #tpu.memory_space<vmem_shared>>
      %dma_wait3A_64 = tpu.memref_slice %arg13[%add3A_40] : memref<161792xf32, #tpu.memory_space<vmem_shared>> -> memref<1024xf32, #tpu.memory_space<vmem_shared>>
      %dma_wait3A_65 = arith.constant 0 : i32
      %dma_wait3A_66 = tpu.memref_slice %arg11[%dma_wait3A_65] : memref<1040xf32, #tpu.memory_space<vmem>> -> memref<1024xf32, #tpu.memory_space<vmem>>
      tpu.wait_dma2 semaphore(%run_scoped3A : memref<!tpu.dma_semaphore, #tpu.memory_space<semaphore_mem>>) src(%dma_wait3A_66 : memref<1024xf32, #tpu.memory_space<vmem>>) dst(%dma_wait3A_64 : memref<1024xf32, #tpu.memory_space<vmem_shared>>)
      tpu.yield
    }) : () -> ()
    %add3A_41 = arith.constant 6144 : i32
    %add3A_42 = arith.addi %mul3A_28, %add3A_41 : i32
    "tpu.region"() ({
      %run_scoped3A = tpu.sem_alloc : memref<!tpu.dma_semaphore, #tpu.memory_space<semaphore_mem>>
      %dma_start3A = arith.constant 0 : i32
      %dma_start3A_57 = tpu.memref_slice %arg11[%dma_start3A] : memref<1040xf32, #tpu.memory_space<vmem>> -> memref<1024xf32, #tpu.memory_space<vmem>>
      %dma_start3A_58 = tpu.memref_slice %arg13[%add3A_42] : memref<161792xf32, #tpu.memory_space<vmem_shared>> -> memref<1024xf32, #tpu.memory_space<vmem_shared>>
      %dma_start3A_59 = tpu.memref_slice %arg13[%add3A_42] : memref<161792xf32, #tpu.memory_space<vmem_shared>> -> memref<1024xf32, #tpu.memory_space<vmem_shared>>
      %dma_start3A_60 = arith.constant 0 : i32
      %dma_start3A_61 = tpu.memref_slice %arg11[%dma_start3A_60] : memref<1040xf32, #tpu.memory_space<vmem>> -> memref<1024xf32, #tpu.memory_space<vmem>>
      tpu.enqueue_dma source(%dma_start3A_61 : memref<1024xf32, #tpu.memory_space<vmem>>) target(%dma_start3A_59 : memref<1024xf32, #tpu.memory_space<vmem_shared>>) target_semaphore(%run_scoped3A : memref<!tpu.dma_semaphore, #tpu.memory_space<semaphore_mem>>)
      %dma_wait3A = arith.constant 0 : i32
      %dma_wait3A_62 = tpu.memref_slice %arg11[%dma_wait3A] : memref<1040xf32, #tpu.memory_space<vmem>> -> memref<1024xf32, #tpu.memory_space<vmem>>
      %dma_wait3A_63 = tpu.memref_slice %arg13[%add3A_42] : memref<161792xf32, #tpu.memory_space<vmem_shared>> -> memref<1024xf32, #tpu.memory_space<vmem_shared>>
      %dma_wait3A_64 = tpu.memref_slice %arg13[%add3A_42] : memref<161792xf32, #tpu.memory_space<vmem_shared>> -> memref<1024xf32, #tpu.memory_space<vmem_shared>>
      %dma_wait3A_65 = arith.constant 0 : i32
      %dma_wait3A_66 = tpu.memref_slice %arg11[%dma_wait3A_65] : memref<1040xf32, #tpu.memory_space<vmem>> -> memref<1024xf32, #tpu.memory_space<vmem>>
      tpu.wait_dma2 semaphore(%run_scoped3A : memref<!tpu.dma_semaphore, #tpu.memory_space<semaphore_mem>>) src(%dma_wait3A_66 : memref<1024xf32, #tpu.memory_space<vmem>>) dst(%dma_wait3A_64 : memref<1024xf32, #tpu.memory_space<vmem_shared>>)
      tpu.yield
    }) : () -> ()
    %add3A_43 = arith.constant 7168 : i32
    %add3A_44 = arith.addi %mul3A_28, %add3A_43 : i32
    "tpu.region"() ({
      %run_scoped3A = tpu.sem_alloc : memref<!tpu.dma_semaphore, #tpu.memory_space<semaphore_mem>>
      %dma_start3A = arith.constant 0 : i32
      %dma_start3A_57 = tpu.memref_slice %arg11[%dma_start3A] : memref<1040xf32, #tpu.memory_space<vmem>> -> memref<1024xf32, #tpu.memory_space<vmem>>
      %dma_start3A_58 = tpu.memref_slice %arg13[%add3A_44] : memref<161792xf32, #tpu.memory_space<vmem_shared>> -> memref<1024xf32, #tpu.memory_space<vmem_shared>>
      %dma_start3A_59 = tpu.memref_slice %arg13[%add3A_44] : memref<161792xf32, #tpu.memory_space<vmem_shared>> -> memref<1024xf32, #tpu.memory_space<vmem_shared>>
      %dma_start3A_60 = arith.constant 0 : i32
      %dma_start3A_61 = tpu.memref_slice %arg11[%dma_start3A_60] : memref<1040xf32, #tpu.memory_space<vmem>> -> memref<1024xf32, #tpu.memory_space<vmem>>
      tpu.enqueue_dma source(%dma_start3A_61 : memref<1024xf32, #tpu.memory_space<vmem>>) target(%dma_start3A_59 : memref<1024xf32, #tpu.memory_space<vmem_shared>>) target_semaphore(%run_scoped3A : memref<!tpu.dma_semaphore, #tpu.memory_space<semaphore_mem>>)
      %dma_wait3A = arith.constant 0 : i32
      %dma_wait3A_62 = tpu.memref_slice %arg11[%dma_wait3A] : memref<1040xf32, #tpu.memory_space<vmem>> -> memref<1024xf32, #tpu.memory_space<vmem>>
      %dma_wait3A_63 = tpu.memref_slice %arg13[%add3A_44] : memref<161792xf32, #tpu.memory_space<vmem_shared>> -> memref<1024xf32, #tpu.memory_space<vmem_shared>>
      %dma_wait3A_64 = tpu.memref_slice %arg13[%add3A_44] : memref<161792xf32, #tpu.memory_space<vmem_shared>> -> memref<1024xf32, #tpu.memory_space<vmem_shared>>
      %dma_wait3A_65 = arith.constant 0 : i32
      %dma_wait3A_66 = tpu.memref_slice %arg11[%dma_wait3A_65] : memref<1040xf32, #tpu.memory_space<vmem>> -> memref<1024xf32, #tpu.memory_space<vmem>>
      tpu.wait_dma2 semaphore(%run_scoped3A : memref<!tpu.dma_semaphore, #tpu.memory_space<semaphore_mem>>) src(%dma_wait3A_66 : memref<1024xf32, #tpu.memory_space<vmem>>) dst(%dma_wait3A_64 : memref<1024xf32, #tpu.memory_space<vmem_shared>>)
      tpu.yield
    }) : () -> ()
    %add3A_45 = arith.constant 8192 : i32
    %add3A_46 = arith.addi %mul3A_28, %add3A_45 : i32
    "tpu.region"() ({
      %run_scoped3A = tpu.sem_alloc : memref<!tpu.dma_semaphore, #tpu.memory_space<semaphore_mem>>
      %dma_start3A = arith.constant 0 : i32
      %dma_start3A_57 = tpu.memref_slice %arg11[%dma_start3A] : memref<1040xf32, #tpu.memory_space<vmem>> -> memref<1024xf32, #tpu.memory_space<vmem>>
      %dma_start3A_58 = tpu.memref_slice %arg13[%add3A_46] : memref<161792xf32, #tpu.memory_space<vmem_shared>> -> memref<1024xf32, #tpu.memory_space<vmem_shared>>
      %dma_start3A_59 = tpu.memref_slice %arg13[%add3A_46] : memref<161792xf32, #tpu.memory_space<vmem_shared>> -> memref<1024xf32, #tpu.memory_space<vmem_shared>>
      %dma_start3A_60 = arith.constant 0 : i32
      %dma_start3A_61 = tpu.memref_slice %arg11[%dma_start3A_60] : memref<1040xf32, #tpu.memory_space<vmem>> -> memref<1024xf32, #tpu.memory_space<vmem>>
      tpu.enqueue_dma source(%dma_start3A_61 : memref<1024xf32, #tpu.memory_space<vmem>>) target(%dma_start3A_59 : memref<1024xf32, #tpu.memory_space<vmem_shared>>) target_semaphore(%run_scoped3A : memref<!tpu.dma_semaphore, #tpu.memory_space<semaphore_mem>>)
      %dma_wait3A = arith.constant 0 : i32
      %dma_wait3A_62 = tpu.memref_slice %arg11[%dma_wait3A] : memref<1040xf32, #tpu.memory_space<vmem>> -> memref<1024xf32, #tpu.memory_space<vmem>>
      %dma_wait3A_63 = tpu.memref_slice %arg13[%add3A_46] : memref<161792xf32, #tpu.memory_space<vmem_shared>> -> memref<1024xf32, #tpu.memory_space<vmem_shared>>
      %dma_wait3A_64 = tpu.memref_slice %arg13[%add3A_46] : memref<161792xf32, #tpu.memory_space<vmem_shared>> -> memref<1024xf32, #tpu.memory_space<vmem_shared>>
      %dma_wait3A_65 = arith.constant 0 : i32
      %dma_wait3A_66 = tpu.memref_slice %arg11[%dma_wait3A_65] : memref<1040xf32, #tpu.memory_space<vmem>> -> memref<1024xf32, #tpu.memory_space<vmem>>
      tpu.wait_dma2 semaphore(%run_scoped3A : memref<!tpu.dma_semaphore, #tpu.memory_space<semaphore_mem>>) src(%dma_wait3A_66 : memref<1024xf32, #tpu.memory_space<vmem>>) dst(%dma_wait3A_64 : memref<1024xf32, #tpu.memory_space<vmem_shared>>)
      tpu.yield
    }) : () -> ()
    %add3A_47 = arith.constant 9216 : i32
    %add3A_48 = arith.addi %mul3A_28, %add3A_47 : i32
    "tpu.region"() ({
      %run_scoped3A = tpu.sem_alloc : memref<!tpu.dma_semaphore, #tpu.memory_space<semaphore_mem>>
      %dma_start3A = arith.constant 0 : i32
      %dma_start3A_57 = tpu.memref_slice %arg11[%dma_start3A] : memref<1040xf32, #tpu.memory_space<vmem>> -> memref<896xf32, #tpu.memory_space<vmem>>
      %dma_start3A_58 = tpu.memref_slice %arg13[%add3A_48] : memref<161792xf32, #tpu.memory_space<vmem_shared>> -> memref<896xf32, #tpu.memory_space<vmem_shared>>
      %dma_start3A_59 = tpu.memref_slice %arg13[%add3A_48] : memref<161792xf32, #tpu.memory_space<vmem_shared>> -> memref<896xf32, #tpu.memory_space<vmem_shared>>
      %dma_start3A_60 = arith.constant 0 : i32
      %dma_start3A_61 = tpu.memref_slice %arg11[%dma_start3A_60] : memref<1040xf32, #tpu.memory_space<vmem>> -> memref<896xf32, #tpu.memory_space<vmem>>
      tpu.enqueue_dma source(%dma_start3A_61 : memref<896xf32, #tpu.memory_space<vmem>>) target(%dma_start3A_59 : memref<896xf32, #tpu.memory_space<vmem_shared>>) target_semaphore(%run_scoped3A : memref<!tpu.dma_semaphore, #tpu.memory_space<semaphore_mem>>)
      %dma_wait3A = arith.constant 0 : i32
      %dma_wait3A_62 = tpu.memref_slice %arg11[%dma_wait3A] : memref<1040xf32, #tpu.memory_space<vmem>> -> memref<896xf32, #tpu.memory_space<vmem>>
      %dma_wait3A_63 = tpu.memref_slice %arg13[%add3A_48] : memref<161792xf32, #tpu.memory_space<vmem_shared>> -> memref<896xf32, #tpu.memory_space<vmem_shared>>
      %dma_wait3A_64 = tpu.memref_slice %arg13[%add3A_48] : memref<161792xf32, #tpu.memory_space<vmem_shared>> -> memref<896xf32, #tpu.memory_space<vmem_shared>>
      %dma_wait3A_65 = arith.constant 0 : i32
      %dma_wait3A_66 = tpu.memref_slice %arg11[%dma_wait3A_65] : memref<1040xf32, #tpu.memory_space<vmem>> -> memref<896xf32, #tpu.memory_space<vmem>>
      tpu.wait_dma2 semaphore(%run_scoped3A : memref<!tpu.dma_semaphore, #tpu.memory_space<semaphore_mem>>) src(%dma_wait3A_66 : memref<896xf32, #tpu.memory_space<vmem>>) dst(%dma_wait3A_64 : memref<896xf32, #tpu.memory_space<vmem_shared>>)
      tpu.yield
    }) : () -> ()
    %barrier3A = arith.constant 0 : index
    tpu.barrier barrier_id(%barrier3A)
    %scan3A_49 = arith.constant 0 : i32
    %scan3A_50 = arith.constant 0 : i32
    %scan3A_51 = arith.constant 81 : i32
    %scan3A_52 = arith.addi %scan3A_50, %scan3A_51 : i32
    %scan3A_53 = arith.constant 1 : i32
    %scan3A_54 = scf.for %scan3A_57 = %scan3A_50 to %scan3A_52 step %scan3A_53 iter_args(%scan3A_58 = %scan3A_49) -> (i32)  : i32 {
      %dma_start3A = arith.constant 0 : i32
      %dma_start3A_59 = arith.constant 0 : i32
      %dma_start3A_60 = tpu.memref_slice %arg2[%add3A, %scan3A_57, %dma_start3A, %dma_start3A_59] : memref<32x81x10x128xi32, #tpu.memory_space<hbm>> -> memref<1x1x10x128xi32, #tpu.memory_space<hbm>>
      %dma_start3A_61 = tpu.memref_squeeze %dma_start3A_60 : memref<1x1x10x128xi32, #tpu.memory_space<hbm>> -> memref<10x128xi32, #tpu.memory_space<hbm>>
      %dma_start3A_62 = arith.constant 0 : i32
      %dma_start3A_63 = arith.constant 0 : i32
      %dma_start3A_64 = tpu.memref_slice %arg2[%add3A, %scan3A_57, %dma_start3A_62, %dma_start3A_63] : memref<32x81x10x128xi32, #tpu.memory_space<hbm>> -> memref<1x1x10x128xi32, #tpu.memory_space<hbm>>
      %dma_start3A_65 = tpu.memref_squeeze %dma_start3A_64 : memref<1x1x10x128xi32, #tpu.memory_space<hbm>> -> memref<10x128xi32, #tpu.memory_space<hbm>>
      tpu.enqueue_dma source(%dma_start3A_65 : memref<10x128xi32, #tpu.memory_space<hbm>>) target(%arg8 : memref<10x128xi32, #tpu.memory_space<vmem>>) target_semaphore(%arg14 : memref<!tpu.dma_semaphore, #tpu.memory_space<semaphore_mem>>)
      %dma_wait3A = arith.constant 0 : i32
      %dma_wait3A_66 = arith.constant 0 : i32
      %dma_wait3A_67 = tpu.memref_slice %arg2[%add3A, %scan3A_57, %dma_wait3A, %dma_wait3A_66] : memref<32x81x10x128xi32, #tpu.memory_space<hbm>> -> memref<1x1x10x128xi32, #tpu.memory_space<hbm>>
      %dma_wait3A_68 = tpu.memref_squeeze %dma_wait3A_67 : memref<1x1x10x128xi32, #tpu.memory_space<hbm>> -> memref<10x128xi32, #tpu.memory_space<hbm>>
      %dma_wait3A_69 = arith.constant 0 : i32
      %dma_wait3A_70 = arith.constant 0 : i32
      %dma_wait3A_71 = tpu.memref_slice %arg2[%add3A, %scan3A_57, %dma_wait3A_69, %dma_wait3A_70] : memref<32x81x10x128xi32, #tpu.memory_space<hbm>> -> memref<1x1x10x128xi32, #tpu.memory_space<hbm>>
      %dma_wait3A_72 = tpu.memref_squeeze %dma_wait3A_71 : memref<1x1x10x128xi32, #tpu.memory_space<hbm>> -> memref<10x128xi32, #tpu.memory_space<hbm>>
      tpu.wait_dma2 semaphore(%arg14 : memref<!tpu.dma_semaphore, #tpu.memory_space<semaphore_mem>>) src(%dma_wait3A_72 : memref<10x128xi32, #tpu.memory_space<hbm>>) dst(%arg8 : memref<10x128xi32, #tpu.memory_space<vmem>>)
      %dma_start3A_73 = arith.constant 0 : i32
      %dma_start3A_74 = arith.constant 0 : i32
      %dma_start3A_75 = tpu.memref_slice %arg8[%dma_start3A_73, %dma_start3A_74] : memref<10x128xi32, #tpu.memory_space<vmem>> -> memref<1x128xi32, #tpu.memory_space<vmem>>
      %dma_start3A_76 = tpu.memref_squeeze %dma_start3A_75 : memref<1x128xi32, #tpu.memory_space<vmem>> -> memref<128xi32, #tpu.memory_space<vmem>>
      %dma_start3A_77 = arith.constant 0 : i32
      %dma_start3A_78 = arith.constant 0 : i32
      %dma_start3A_79 = tpu.memref_slice %arg4[%dma_start3A_77, %dma_start3A_78] : memref<10000x128xf32, #tpu.memory_space<hbm>> -> memref<10000x128xf32, #tpu.memory_space<hbm>>
      tpu.enqueue_indirect_dma source(%dma_start3A_79 : memref<10000x128xf32, #tpu.memory_space<hbm>>) target(%arg9 : memref<128x128xf32, #tpu.memory_space<vmem>>) offsets(%dma_start3A_76 : memref<128xi32, #tpu.memory_space<vmem>>) semaphore(%arg14 : memref<!tpu.dma_semaphore, #tpu.memory_space<semaphore_mem>>)
      %dma_start3A_80 = arith.constant 1 : i32
      %dma_start3A_81 = arith.constant 0 : i32
      %dma_start3A_82 = tpu.memref_slice %arg8[%dma_start3A_80, %dma_start3A_81] : memref<10x128xi32, #tpu.memory_space<vmem>> -> memref<1x128xi32, #tpu.memory_space<vmem>>
      %dma_start3A_83 = tpu.memref_squeeze %dma_start3A_82 : memref<1x128xi32, #tpu.memory_space<vmem>> -> memref<128xi32, #tpu.memory_space<vmem>>
      %dma_start3A_84 = arith.constant 0 : i32
      %dma_start3A_85 = arith.constant 0 : i32
      %dma_start3A_86 = tpu.memref_slice %arg5[%dma_start3A_84, %dma_start3A_85] : memref<10112x128xf32, #tpu.memory_space<hbm>> -> memref<10112x128xf32, #tpu.memory_space<hbm>>
      tpu.enqueue_indirect_dma source(%dma_start3A_86 : memref<10112x128xf32, #tpu.memory_space<hbm>>) target(%arg10 : memref<128x128xf32, #tpu.memory_space<vmem>>) offsets(%dma_start3A_83 : memref<128xi32, #tpu.memory_space<vmem>>) semaphore(%arg15 : memref<!tpu.dma_semaphore, #tpu.memory_space<semaphore_mem>>)
      %dma_wait3A_87 = arith.constant 0 : i32
      %dma_wait3A_88 = arith.constant 0 : i32
      %dma_wait3A_89 = tpu.memref_slice %arg8[%dma_wait3A_87, %dma_wait3A_88] : memref<10x128xi32, #tpu.memory_space<vmem>> -> memref<1x128xi32, #tpu.memory_space<vmem>>
      %dma_wait3A_90 = tpu.memref_squeeze %dma_wait3A_89 : memref<1x128xi32, #tpu.memory_space<vmem>> -> memref<128xi32, #tpu.memory_space<vmem>>
      %dma_wait3A_91 = arith.constant 0 : i32
      %dma_wait3A_92 = arith.constant 0 : i32
      %dma_wait3A_93 = tpu.memref_slice %arg4[%dma_wait3A_91, %dma_wait3A_92] : memref<10000x128xf32, #tpu.memory_space<hbm>> -> memref<10000x128xf32, #tpu.memory_space<hbm>>
      tpu.wait_indirect_dma semaphore(%arg14 : memref<!tpu.dma_semaphore, #tpu.memory_space<semaphore_mem>>) src(%dma_wait3A_93 : memref<10000x128xf32, #tpu.memory_space<hbm>>) dst(%arg9 : memref<128x128xf32, #tpu.memory_space<vmem>>)
      %dma_wait3A_94 = arith.constant 1 : i32
      %dma_wait3A_95 = arith.constant 0 : i32
      %dma_wait3A_96 = tpu.memref_slice %arg8[%dma_wait3A_94, %dma_wait3A_95] : memref<10x128xi32, #tpu.memory_space<vmem>> -> memref<1x128xi32, #tpu.memory_space<vmem>>
      %dma_wait3A_97 = tpu.memref_squeeze %dma_wait3A_96 : memref<1x128xi32, #tpu.memory_space<vmem>> -> memref<128xi32, #tpu.memory_space<vmem>>
      %dma_wait3A_98 = arith.constant 0 : i32
      %dma_wait3A_99 = arith.constant 0 : i32
      %dma_wait3A_100 = tpu.memref_slice %arg5[%dma_wait3A_98, %dma_wait3A_99] : memref<10112x128xf32, #tpu.memory_space<hbm>> -> memref<10112x128xf32, #tpu.memory_space<hbm>>
      tpu.wait_indirect_dma semaphore(%arg15 : memref<!tpu.dma_semaphore, #tpu.memory_space<semaphore_mem>>) src(%dma_wait3A_100 : memref<10112x128xf32, #tpu.memory_space<hbm>>) dst(%arg10 : memref<128x128xf32, #tpu.memory_space<vmem>>)
      %scan3A_101 = arith.constant 0 : i32
      %scan3A_102 = arith.constant 0 : i32
      %scan3A_103 = arith.constant 64 : i32
      %scan3A_104 = arith.addi %scan3A_102, %scan3A_103 : i32
      %scan3A_105 = arith.constant 4 : i32
      %scan3A_106 = scf.for %scan3A_291 = %scan3A_102 to %scan3A_104 step %scan3A_105 iter_args(%scan3A_292 = %scan3A_101) -> (i32)  : i32 {
        %get3A = arith.index_cast %scan3A_291 : i32 to index
        %get3A_293 = arith.constant 0 : index
        %get3A_294 = tpu.vector_load %arg9[%get3A, %get3A_293] {strides = array<i32>} : memref<128x128xf32, #tpu.memory_space<vmem>>, vector<1x16xf32>,
        %get3A_295 = vector.shape_cast %get3A_294 : vector<1x16xf32> to vector<16xf32>
        %get3A_296 = arith.index_cast %scan3A_291 : i32 to index
        %get3A_297 = arith.constant 0 : index
        %get3A_298 = tpu.vector_load %arg10[%get3A_296, %get3A_297] {strides = array<i32>} : memref<128x128xf32, #tpu.memory_space<vmem>>, vector<1x16xf32>,
        %get3A_299 = vector.shape_cast %get3A_298 : vector<1x16xf32> to vector<16xf32>
        %add3A_300 = arith.addf %get3A_295, %get3A_299 : vector<16xf32>
        %mul3A_301 = arith.constant 2.000000e-01 : f32
        %mul3A_302 = vector.broadcast %mul3A_301 : f32 to vector<16xf32>
        %mul3A_303 = arith.mulf %add3A_300, %mul3A_302 : vector<16xf32>
        %max3A = arith.maximumf %add3A_300, %mul3A_303 : vector<16xf32>
        %exp3A = math.exp %max3A : vector<16xf32>
        %mul3A_304 = arith.constant 8 : i32
        %mul3A_305 = arith.muli %scan3A_291, %mul3A_304 : i32
        %swap3A = arith.index_cast %mul3A_305 : i32 to index
        %swap3A_306 = tpu.vector_load %arg11[%swap3A] {strides = array<i32>} : memref<1040xf32, #tpu.memory_space<vmem>>, vector<16xf32>,
        %swap3A_307 = vector.shape_cast %swap3A_306 : vector<16xf32> to vector<16xf32>
        %swap3A_308 = vector.shape_cast %exp3A : vector<16xf32> to vector<16xf32>
        tpu.vector_store %arg11[%swap3A], %swap3A_308 {strides = array<i32>} : memref<1040xf32, #tpu.memory_space<vmem>>, vector<16xf32>,
        %scan3A_309 = arith.constant 0 : i32
        %scan3A_310 = arith.constant 1 : i32
        %scan3A_311 = arith.addi %scan3A_291, %scan3A_310 : i32
        %get3A_312 = arith.index_cast %scan3A_311 : i32 to index
        %get3A_313 = arith.constant 0 : index
        %get3A_314 = tpu.vector_load %arg9[%get3A_312, %get3A_313] {strides = array<i32>} : memref<128x128xf32, #tpu.memory_space<vmem>>, vector<1x16xf32>,
        %get3A_315 = vector.shape_cast %get3A_314 : vector<1x16xf32> to vector<16xf32>
        %get3A_316 = arith.index_cast %scan3A_311 : i32 to index
        %get3A_317 = arith.constant 0 : index
        %get3A_318 = tpu.vector_load %arg10[%get3A_316, %get3A_317] {strides = array<i32>} : memref<128x128xf32, #tpu.memory_space<vmem>>, vector<1x16xf32>,
        %get3A_319 = vector.shape_cast %get3A_318 : vector<1x16xf32> to vector<16xf32>
        %add3A_320 = arith.addf %get3A_315, %get3A_319 : vector<16xf32>
        %mul3A_321 = arith.constant 2.000000e-01 : f32
        %mul3A_322 = vector.broadcast %mul3A_321 : f32 to vector<16xf32>
        %mul3A_323 = arith.mulf %add3A_320, %mul3A_322 : vector<16xf32>
        %max3A_324 = arith.maximumf %add3A_320, %mul3A_323 : vector<16xf32>
        %exp3A_325 = math.exp %max3A_324 : vector<16xf32>
        %mul3A_326 = arith.constant 8 : i32
        %mul3A_327 = arith.muli %scan3A_311, %mul3A_326 : i32
        %swap3A_328 = arith.index_cast %mul3A_327 : i32 to index
        %swap3A_329 = tpu.vector_load %arg11[%swap3A_328] {strides = array<i32>} : memref<1040xf32, #tpu.memory_space<vmem>>, vector<16xf32>,
        %swap3A_330 = vector.shape_cast %swap3A_329 : vector<16xf32> to vector<16xf32>
        %swap3A_331 = vector.shape_cast %exp3A_325 : vector<16xf32> to vector<16xf32>
        tpu.vector_store %arg11[%swap3A_328], %swap3A_331 {strides = array<i32>} : memref<1040xf32, #tpu.memory_space<vmem>>, vector<16xf32>,
        %scan3A_332 = arith.constant 0 : i32
        %scan3A_333 = arith.constant 2 : i32
        %scan3A_334 = arith.addi %scan3A_291, %scan3A_333 : i32
        %get3A_335 = arith.index_cast %scan3A_334 : i32 to index
        %get3A_336 = arith.constant 0 : index
        %get3A_337 = tpu.vector_load %arg9[%get3A_335, %get3A_336] {strides = array<i32>} : memref<128x128xf32, #tpu.memory_space<vmem>>, vector<1x16xf32>,
        %get3A_338 = vector.shape_cast %get3A_337 : vector<1x16xf32> to vector<16xf32>
        %get3A_339 = arith.index_cast %scan3A_334 : i32 to index
        %get3A_340 = arith.constant 0 : index
        %get3A_341 = tpu.vector_load %arg10[%get3A_339, %get3A_340] {strides = array<i32>} : memref<128x128xf32, #tpu.memory_space<vmem>>, vector<1x16xf32>,
        %get3A_342 = vector.shape_cast %get3A_341 : vector<1x16xf32> to vector<16xf32>
        %add3A_343 = arith.addf %get3A_338, %get3A_342 : vector<16xf32>
        %mul3A_344 = arith.constant 2.000000e-01 : f32
        %mul3A_345 = vector.broadcast %mul3A_344 : f32 to vector<16xf32>
        %mul3A_346 = arith.mulf %add3A_343, %mul3A_345 : vector<16xf32>
        %max3A_347 = arith.maximumf %add3A_343, %mul3A_346 : vector<16xf32>
        %exp3A_348 = math.exp %max3A_347 : vector<16xf32>
        %mul3A_349 = arith.constant 8 : i32
        %mul3A_350 = arith.muli %scan3A_334, %mul3A_349 : i32
        %swap3A_351 = arith.index_cast %mul3A_350 : i32 to index
        %swap3A_352 = tpu.vector_load %arg11[%swap3A_351] {strides = array<i32>} : memref<1040xf32, #tpu.memory_space<vmem>>, vector<16xf32>,
        %swap3A_353 = vector.shape_cast %swap3A_352 : vector<16xf32> to vector<16xf32>
        %swap3A_354 = vector.shape_cast %exp3A_348 : vector<16xf32> to vector<16xf32>
        tpu.vector_store %arg11[%swap3A_351], %swap3A_354 {strides = array<i32>} : memref<1040xf32, #tpu.memory_space<vmem>>, vector<16xf32>,
        %scan3A_355 = arith.constant 0 : i32
        %scan3A_356 = arith.constant 3 : i32
        %scan3A_357 = arith.addi %scan3A_291, %scan3A_356 : i32
        %get3A_358 = arith.index_cast %scan3A_357 : i32 to index
        %get3A_359 = arith.constant 0 : index
        %get3A_360 = tpu.vector_load %arg9[%get3A_358, %get3A_359] {strides = array<i32>} : memref<128x128xf32, #tpu.memory_space<vmem>>, vector<1x16xf32>,
        %get3A_361 = vector.shape_cast %get3A_360 : vector<1x16xf32> to vector<16xf32>
        %get3A_362 = arith.index_cast %scan3A_357 : i32 to index
        %get3A_363 = arith.constant 0 : index
        %get3A_364 = tpu.vector_load %arg10[%get3A_362, %get3A_363] {strides = array<i32>} : memref<128x128xf32, #tpu.memory_space<vmem>>, vector<1x16xf32>,
        %get3A_365 = vector.shape_cast %get3A_364 : vector<1x16xf32> to vector<16xf32>
        %add3A_366 = arith.addf %get3A_361, %get3A_365 : vector<16xf32>
        %mul3A_367 = arith.constant 2.000000e-01 : f32
        %mul3A_368 = vector.broadcast %mul3A_367 : f32 to vector<16xf32>
        %mul3A_369 = arith.mulf %add3A_366, %mul3A_368 : vector<16xf32>
        %max3A_370 = arith.maximumf %add3A_366, %mul3A_369 : vector<16xf32>
        %exp3A_371 = math.exp %max3A_370 : vector<16xf32>
        %mul3A_372 = arith.constant 8 : i32
        %mul3A_373 = arith.muli %scan3A_357, %mul3A_372 : i32
        %swap3A_374 = arith.index_cast %mul3A_373 : i32 to index
        %swap3A_375 = tpu.vector_load %arg11[%swap3A_374] {strides = array<i32>} : memref<1040xf32, #tpu.memory_space<vmem>>, vector<16xf32>,
        %swap3A_376 = vector.shape_cast %swap3A_375 : vector<16xf32> to vector<16xf32>
        %swap3A_377 = vector.shape_cast %exp3A_371 : vector<16xf32> to vector<16xf32>
        tpu.vector_store %arg11[%swap3A_374], %swap3A_377 {strides = array<i32>} : memref<1040xf32, #tpu.memory_space<vmem>>, vector<16xf32>,
        %scan3A_378 = arith.constant 0 : i32
        scf.yield %scan3A_378 : i32
      }
      %scan3A_107 = arith.constant 64 : i32
      %dma_start3A_108 = arith.constant 0 : i32
      %dma_start3A_109 = arith.constant 0 : i32
      %dma_start3A_110 = arith.constant 0 : i32
      %dma_start3A_111 = tpu.memref_slice %arg9[%dma_start3A_109, %dma_start3A_110] : memref<128x128xf32, #tpu.memory_space<vmem>> -> memref<64x128xf32, #tpu.memory_space<vmem>>
      %dma_start3A_112 = arith.constant 0 : i32
      %dma_start3A_113 = tpu.memref_slice %arg8[%dma_start3A_108, %dma_start3A_112] : memref<10x128xi32, #tpu.memory_space<vmem>> -> memref<1x64xi32, #tpu.memory_space<vmem>>
      %dma_start3A_114 = tpu.memref_squeeze %dma_start3A_113 : memref<1x64xi32, #tpu.memory_space<vmem>> -> memref<64xi32, #tpu.memory_space<vmem>>
      %dma_start3A_115 = arith.constant 0 : i32
      %dma_start3A_116 = arith.constant 0 : i32
      %dma_start3A_117 = tpu.memref_slice %arg3[%dma_start3A_115, %dma_start3A_116] : memref<10000x128xf32, #tpu.memory_space<hbm>> -> memref<10000x128xf32, #tpu.memory_space<hbm>>
      tpu.enqueue_indirect_dma source(%dma_start3A_117 : memref<10000x128xf32, #tpu.memory_space<hbm>>) target(%dma_start3A_111 : memref<64x128xf32, #tpu.memory_space<vmem>>) offsets(%dma_start3A_114 : memref<64xi32, #tpu.memory_space<vmem>>) semaphore(%arg14 : memref<!tpu.dma_semaphore, #tpu.memory_space<semaphore_mem>>)
      %scan3A_118 = arith.constant 0 : i32
      %scan3A_119 = arith.constant 64 : i32
      %scan3A_120 = arith.constant 64 : i32
      %scan3A_121 = arith.addi %scan3A_119, %scan3A_120 : i32
      %scan3A_122 = arith.constant 4 : i32
      %scan3A_123 = scf.for %scan3A_291 = %scan3A_119 to %scan3A_121 step %scan3A_122 iter_args(%scan3A_292 = %scan3A_118) -> (i32)  : i32 {
        %get3A = arith.index_cast %scan3A_291 : i32 to index
        %get3A_293 = arith.constant 0 : index
        %get3A_294 = tpu.vector_load %arg9[%get3A, %get3A_293] {strides = array<i32>} : memref<128x128xf32, #tpu.memory_space<vmem>>, vector<1x16xf32>,
        %get3A_295 = vector.shape_cast %get3A_294 : vector<1x16xf32> to vector<16xf32>
        %get3A_296 = arith.index_cast %scan3A_291 : i32 to index
        %get3A_297 = arith.constant 0 : index
        %get3A_298 = tpu.vector_load %arg10[%get3A_296, %get3A_297] {strides = array<i32>} : memref<128x128xf32, #tpu.memory_space<vmem>>, vector<1x16xf32>,
        %get3A_299 = vector.shape_cast %get3A_298 : vector<1x16xf32> to vector<16xf32>
        %add3A_300 = arith.addf %get3A_295, %get3A_299 : vector<16xf32>
        %mul3A_301 = arith.constant 2.000000e-01 : f32
        %mul3A_302 = vector.broadcast %mul3A_301 : f32 to vector<16xf32>
        %mul3A_303 = arith.mulf %add3A_300, %mul3A_302 : vector<16xf32>
        %max3A = arith.maximumf %add3A_300, %mul3A_303 : vector<16xf32>
        %exp3A = math.exp %max3A : vector<16xf32>
        %mul3A_304 = arith.constant 8 : i32
        %mul3A_305 = arith.muli %scan3A_291, %mul3A_304 : i32
        %swap3A = arith.index_cast %mul3A_305 : i32 to index
        %swap3A_306 = tpu.vector_load %arg11[%swap3A] {strides = array<i32>} : memref<1040xf32, #tpu.memory_space<vmem>>, vector<16xf32>,
        %swap3A_307 = vector.shape_cast %swap3A_306 : vector<16xf32> to vector<16xf32>
        %swap3A_308 = vector.shape_cast %exp3A : vector<16xf32> to vector<16xf32>
        tpu.vector_store %arg11[%swap3A], %swap3A_308 {strides = array<i32>} : memref<1040xf32, #tpu.memory_space<vmem>>, vector<16xf32>,
        %scan3A_309 = arith.constant 0 : i32
        %scan3A_310 = arith.constant 1 : i32
        %scan3A_311 = arith.addi %scan3A_291, %scan3A_310 : i32
        %get3A_312 = arith.index_cast %scan3A_311 : i32 to index
        %get3A_313 = arith.constant 0 : index
        %get3A_314 = tpu.vector_load %arg9[%get3A_312, %get3A_313] {strides = array<i32>} : memref<128x128xf32, #tpu.memory_space<vmem>>, vector<1x16xf32>,
        %get3A_315 = vector.shape_cast %get3A_314 : vector<1x16xf32> to vector<16xf32>
        %get3A_316 = arith.index_cast %scan3A_311 : i32 to index
        %get3A_317 = arith.constant 0 : index
        %get3A_318 = tpu.vector_load %arg10[%get3A_316, %get3A_317] {strides = array<i32>} : memref<128x128xf32, #tpu.memory_space<vmem>>, vector<1x16xf32>,
        %get3A_319 = vector.shape_cast %get3A_318 : vector<1x16xf32> to vector<16xf32>
        %add3A_320 = arith.addf %get3A_315, %get3A_319 : vector<16xf32>
        %mul3A_321 = arith.constant 2.000000e-01 : f32
        %mul3A_322 = vector.broadcast %mul3A_321 : f32 to vector<16xf32>
        %mul3A_323 = arith.mulf %add3A_320, %mul3A_322 : vector<16xf32>
        %max3A_324 = arith.maximumf %add3A_320, %mul3A_323 : vector<16xf32>
        %exp3A_325 = math.exp %max3A_324 : vector<16xf32>
        %mul3A_326 = arith.constant 8 : i32
        %mul3A_327 = arith.muli %scan3A_311, %mul3A_326 : i32
        %swap3A_328 = arith.index_cast %mul3A_327 : i32 to index
        %swap3A_329 = tpu.vector_load %arg11[%swap3A_328] {strides = array<i32>} : memref<1040xf32, #tpu.memory_space<vmem>>, vector<16xf32>,
        %swap3A_330 = vector.shape_cast %swap3A_329 : vector<16xf32> to vector<16xf32>
        %swap3A_331 = vector.shape_cast %exp3A_325 : vector<16xf32> to vector<16xf32>
        tpu.vector_store %arg11[%swap3A_328], %swap3A_331 {strides = array<i32>} : memref<1040xf32, #tpu.memory_space<vmem>>, vector<16xf32>,
        %scan3A_332 = arith.constant 0 : i32
        %scan3A_333 = arith.constant 2 : i32
        %scan3A_334 = arith.addi %scan3A_291, %scan3A_333 : i32
        %get3A_335 = arith.index_cast %scan3A_334 : i32 to index
        %get3A_336 = arith.constant 0 : index
        %get3A_337 = tpu.vector_load %arg9[%get3A_335, %get3A_336] {strides = array<i32>} : memref<128x128xf32, #tpu.memory_space<vmem>>, vector<1x16xf32>,
        %get3A_338 = vector.shape_cast %get3A_337 : vector<1x16xf32> to vector<16xf32>
        %get3A_339 = arith.index_cast %scan3A_334 : i32 to index
        %get3A_340 = arith.constant 0 : index
        %get3A_341 = tpu.vector_load %arg10[%get3A_339, %get3A_340] {strides = array<i32>} : memref<128x128xf32, #tpu.memory_space<vmem>>, vector<1x16xf32>,
        %get3A_342 = vector.shape_cast %get3A_341 : vector<1x16xf32> to vector<16xf32>
        %add3A_343 = arith.addf %get3A_338, %get3A_342 : vector<16xf32>
        %mul3A_344 = arith.constant 2.000000e-01 : f32
        %mul3A_345 = vector.broadcast %mul3A_344 : f32 to vector<16xf32>
        %mul3A_346 = arith.mulf %add3A_343, %mul3A_345 : vector<16xf32>
        %max3A_347 = arith.maximumf %add3A_343, %mul3A_346 : vector<16xf32>
        %exp3A_348 = math.exp %max3A_347 : vector<16xf32>
        %mul3A_349 = arith.constant 8 : i32
        %mul3A_350 = arith.muli %scan3A_334, %mul3A_349 : i32
        %swap3A_351 = arith.index_cast %mul3A_350 : i32 to index
        %swap3A_352 = tpu.vector_load %arg11[%swap3A_351] {strides = array<i32>} : memref<1040xf32, #tpu.memory_space<vmem>>, vector<16xf32>,
        %swap3A_353 = vector.shape_cast %swap3A_352 : vector<16xf32> to vector<16xf32>
        %swap3A_354 = vector.shape_cast %exp3A_348 : vector<16xf32> to vector<16xf32>
        tpu.vector_store %arg11[%swap3A_351], %swap3A_354 {strides = array<i32>} : memref<1040xf32, #tpu.memory_space<vmem>>, vector<16xf32>,
        %scan3A_355 = arith.constant 0 : i32
        %scan3A_356 = arith.constant 3 : i32
        %scan3A_357 = arith.addi %scan3A_291, %scan3A_356 : i32
        %get3A_358 = arith.index_cast %scan3A_357 : i32 to index
        %get3A_359 = arith.constant 0 : index
        %get3A_360 = tpu.vector_load %arg9[%get3A_358, %get3A_359] {strides = array<i32>} : memref<128x128xf32, #tpu.memory_space<vmem>>, vector<1x16xf32>,
        %get3A_361 = vector.shape_cast %get3A_360 : vector<1x16xf32> to vector<16xf32>
        %get3A_362 = arith.index_cast %scan3A_357 : i32 to index
        %get3A_363 = arith.constant 0 : index
        %get3A_364 = tpu.vector_load %arg10[%get3A_362, %get3A_363] {strides = array<i32>} : memref<128x128xf32, #tpu.memory_space<vmem>>, vector<1x16xf32>,
        %get3A_365 = vector.shape_cast %get3A_364 : vector<1x16xf32> to vector<16xf32>
        %add3A_366 = arith.addf %get3A_361, %get3A_365 : vector<16xf32>
        %mul3A_367 = arith.constant 2.000000e-01 : f32
        %mul3A_368 = vector.broadcast %mul3A_367 : f32 to vector<16xf32>
        %mul3A_369 = arith.mulf %add3A_366, %mul3A_368 : vector<16xf32>
        %max3A_370 = arith.maximumf %add3A_366, %mul3A_369 : vector<16xf32>
        %exp3A_371 = math.exp %max3A_370 : vector<16xf32>
        %mul3A_372 = arith.constant 8 : i32
        %mul3A_373 = arith.muli %scan3A_357, %mul3A_372 : i32
        %swap3A_374 = arith.index_cast %mul3A_373 : i32 to index
        %swap3A_375 = tpu.vector_load %arg11[%swap3A_374] {strides = array<i32>} : memref<1040xf32, #tpu.memory_space<vmem>>, vector<16xf32>,
        %swap3A_376 = vector.shape_cast %swap3A_375 : vector<16xf32> to vector<16xf32>
        %swap3A_377 = vector.shape_cast %exp3A_371 : vector<16xf32> to vector<16xf32>
        tpu.vector_store %arg11[%swap3A_374], %swap3A_377 {strides = array<i32>} : memref<1040xf32, #tpu.memory_space<vmem>>, vector<16xf32>,
        %scan3A_378 = arith.constant 0 : i32
        scf.yield %scan3A_378 : i32
      }
      %scan3A_124 = arith.constant 64 : i32
      %dma_start3A_125 = arith.constant 0 : i32
      %dma_start3A_126 = arith.constant 64 : i32
      %dma_start3A_127 = arith.constant 0 : i32
      %dma_start3A_128 = tpu.memref_slice %arg9[%dma_start3A_126, %dma_start3A_127] : memref<128x128xf32, #tpu.memory_space<vmem>> -> memref<64x128xf32, #tpu.memory_space<vmem>>
      %dma_start3A_129 = arith.constant 64 : i32
      %dma_start3A_130 = tpu.memref_slice %arg8[%dma_start3A_125, %dma_start3A_129] : memref<10x128xi32, #tpu.memory_space<vmem>> -> memref<1x64xi32, #tpu.memory_space<vmem>>
      %dma_start3A_131 = tpu.memref_squeeze %dma_start3A_130 : memref<1x64xi32, #tpu.memory_space<vmem>> -> memref<64xi32, #tpu.memory_space<vmem>>
      %dma_start3A_132 = arith.constant 0 : i32
      %dma_start3A_133 = arith.constant 0 : i32
      %dma_start3A_134 = tpu.memref_slice %arg3[%dma_start3A_132, %dma_start3A_133] : memref<10000x128xf32, #tpu.memory_space<hbm>> -> memref<10000x128xf32, #tpu.memory_space<hbm>>
      tpu.enqueue_indirect_dma source(%dma_start3A_134 : memref<10000x128xf32, #tpu.memory_space<hbm>>) target(%dma_start3A_128 : memref<64x128xf32, #tpu.memory_space<vmem>>) offsets(%dma_start3A_131 : memref<64xi32, #tpu.memory_space<vmem>>) semaphore(%arg14 : memref<!tpu.dma_semaphore, #tpu.memory_space<semaphore_mem>>)
      %dma_start3A_135 = arith.constant 2 : i32
      %dma_start3A_136 = arith.constant 0 : i32
      %dma_start3A_137 = tpu.memref_slice %arg11[%dma_start3A_136] : memref<1040xf32, #tpu.memory_space<vmem>> -> memref<128xf32, #tpu.memory_space<vmem>>
      %dma_start3A_138 = arith.constant 0 : i32
      %dma_start3A_139 = tpu.memref_slice %arg8[%dma_start3A_135, %dma_start3A_138] : memref<10x128xi32, #tpu.memory_space<vmem>> -> memref<1x128xi32, #tpu.memory_space<vmem>>
      %dma_start3A_140 = tpu.memref_squeeze %dma_start3A_139 : memref<1x128xi32, #tpu.memory_space<vmem>> -> memref<128xi32, #tpu.memory_space<vmem>>
      %dma_start3A_141 = arith.constant 0 : i32
      %dma_start3A_142 = tpu.memref_slice %arg13[%dma_start3A_141] : memref<161792xf32, #tpu.memory_space<vmem_shared>> -> memref<161792xf32, #tpu.memory_space<vmem_shared>>
      tpu.enqueue_indirect_dma source(%dma_start3A_137 : memref<128xf32, #tpu.memory_space<vmem>>) target(%dma_start3A_142 : memref<161792xf32, #tpu.memory_space<vmem_shared>>) offsets(%dma_start3A_140 : memref<128xi32, #tpu.memory_space<vmem>>) semaphore(%arg15 : memref<!tpu.dma_semaphore, #tpu.memory_space<semaphore_mem>>) {add = true}
      %dma_start3A_143 = arith.constant 3 : i32
      %dma_start3A_144 = arith.constant 128 : i32
      %dma_start3A_145 = tpu.memref_slice %arg11[%dma_start3A_144] : memref<1040xf32, #tpu.memory_space<vmem>> -> memref<128xf32, #tpu.memory_space<vmem>>
      %dma_start3A_146 = arith.constant 0 : i32
      %dma_start3A_147 = tpu.memref_slice %arg8[%dma_start3A_143, %dma_start3A_146] : memref<10x128xi32, #tpu.memory_space<vmem>> -> memref<1x128xi32, #tpu.memory_space<vmem>>
      %dma_start3A_148 = tpu.memref_squeeze %dma_start3A_147 : memref<1x128xi32, #tpu.memory_space<vmem>> -> memref<128xi32, #tpu.memory_space<vmem>>
      %dma_start3A_149 = arith.constant 0 : i32
      %dma_start3A_150 = tpu.memref_slice %arg13[%dma_start3A_149] : memref<161792xf32, #tpu.memory_space<vmem_shared>> -> memref<161792xf32, #tpu.memory_space<vmem_shared>>
      tpu.enqueue_indirect_dma source(%dma_start3A_145 : memref<128xf32, #tpu.memory_space<vmem>>) target(%dma_start3A_150 : memref<161792xf32, #tpu.memory_space<vmem_shared>>) offsets(%dma_start3A_148 : memref<128xi32, #tpu.memory_space<vmem>>) semaphore(%arg15 : memref<!tpu.dma_semaphore, #tpu.memory_space<semaphore_mem>>) {add = true}
      %dma_start3A_151 = arith.constant 4 : i32
      %dma_start3A_152 = arith.constant 256 : i32
      %dma_start3A_153 = tpu.memref_slice %arg11[%dma_start3A_152] : memref<1040xf32, #tpu.memory_space<vmem>> -> memref<128xf32, #tpu.memory_space<vmem>>
      %dma_start3A_154 = arith.constant 0 : i32
      %dma_start3A_155 = tpu.memref_slice %arg8[%dma_start3A_151, %dma_start3A_154] : memref<10x128xi32, #tpu.memory_space<vmem>> -> memref<1x128xi32, #tpu.memory_space<vmem>>
      %dma_start3A_156 = tpu.memref_squeeze %dma_start3A_155 : memref<1x128xi32, #tpu.memory_space<vmem>> -> memref<128xi32, #tpu.memory_space<vmem>>
      %dma_start3A_157 = arith.constant 0 : i32
      %dma_start3A_158 = tpu.memref_slice %arg13[%dma_start3A_157] : memref<161792xf32, #tpu.memory_space<vmem_shared>> -> memref<161792xf32, #tpu.memory_space<vmem_shared>>
      tpu.enqueue_indirect_dma source(%dma_start3A_153 : memref<128xf32, #tpu.memory_space<vmem>>) target(%dma_start3A_158 : memref<161792xf32, #tpu.memory_space<vmem_shared>>) offsets(%dma_start3A_156 : memref<128xi32, #tpu.memory_space<vmem>>) semaphore(%arg15 : memref<!tpu.dma_semaphore, #tpu.memory_space<semaphore_mem>>) {add = true}
      %dma_start3A_159 = arith.constant 5 : i32
      %dma_start3A_160 = arith.constant 384 : i32
      %dma_start3A_161 = tpu.memref_slice %arg11[%dma_start3A_160] : memref<1040xf32, #tpu.memory_space<vmem>> -> memref<128xf32, #tpu.memory_space<vmem>>
      %dma_start3A_162 = arith.constant 0 : i32
      %dma_start3A_163 = tpu.memref_slice %arg8[%dma_start3A_159, %dma_start3A_162] : memref<10x128xi32, #tpu.memory_space<vmem>> -> memref<1x128xi32, #tpu.memory_space<vmem>>
      %dma_start3A_164 = tpu.memref_squeeze %dma_start3A_163 : memref<1x128xi32, #tpu.memory_space<vmem>> -> memref<128xi32, #tpu.memory_space<vmem>>
      %dma_start3A_165 = arith.constant 0 : i32
      %dma_start3A_166 = tpu.memref_slice %arg13[%dma_start3A_165] : memref<161792xf32, #tpu.memory_space<vmem_shared>> -> memref<161792xf32, #tpu.memory_space<vmem_shared>>
      tpu.enqueue_indirect_dma source(%dma_start3A_161 : memref<128xf32, #tpu.memory_space<vmem>>) target(%dma_start3A_166 : memref<161792xf32, #tpu.memory_space<vmem_shared>>) offsets(%dma_start3A_164 : memref<128xi32, #tpu.memory_space<vmem>>) semaphore(%arg15 : memref<!tpu.dma_semaphore, #tpu.memory_space<semaphore_mem>>) {add = true}
      %dma_start3A_167 = arith.constant 6 : i32
      %dma_start3A_168 = arith.constant 512 : i32
      %dma_start3A_169 = tpu.memref_slice %arg11[%dma_start3A_168] : memref<1040xf32, #tpu.memory_space<vmem>> -> memref<128xf32, #tpu.memory_space<vmem>>
      %dma_start3A_170 = arith.constant 0 : i32
      %dma_start3A_171 = tpu.memref_slice %arg8[%dma_start3A_167, %dma_start3A_170] : memref<10x128xi32, #tpu.memory_space<vmem>> -> memref<1x128xi32, #tpu.memory_space<vmem>>
      %dma_start3A_172 = tpu.memref_squeeze %dma_start3A_171 : memref<1x128xi32, #tpu.memory_space<vmem>> -> memref<128xi32, #tpu.memory_space<vmem>>
      %dma_start3A_173 = arith.constant 0 : i32
      %dma_start3A_174 = tpu.memref_slice %arg13[%dma_start3A_173] : memref<161792xf32, #tpu.memory_space<vmem_shared>> -> memref<161792xf32, #tpu.memory_space<vmem_shared>>
      tpu.enqueue_indirect_dma source(%dma_start3A_169 : memref<128xf32, #tpu.memory_space<vmem>>) target(%dma_start3A_174 : memref<161792xf32, #tpu.memory_space<vmem_shared>>) offsets(%dma_start3A_172 : memref<128xi32, #tpu.memory_space<vmem>>) semaphore(%arg15 : memref<!tpu.dma_semaphore, #tpu.memory_space<semaphore_mem>>) {add = true}
      %dma_start3A_175 = arith.constant 7 : i32
      %dma_start3A_176 = arith.constant 640 : i32
      %dma_start3A_177 = tpu.memref_slice %arg11[%dma_start3A_176] : memref<1040xf32, #tpu.memory_space<vmem>> -> memref<128xf32, #tpu.memory_space<vmem>>
      %dma_start3A_178 = arith.constant 0 : i32
      %dma_start3A_179 = tpu.memref_slice %arg8[%dma_start3A_175, %dma_start3A_178] : memref<10x128xi32, #tpu.memory_space<vmem>> -> memref<1x128xi32, #tpu.memory_space<vmem>>
      %dma_start3A_180 = tpu.memref_squeeze %dma_start3A_179 : memref<1x128xi32, #tpu.memory_space<vmem>> -> memref<128xi32, #tpu.memory_space<vmem>>
      %dma_start3A_181 = arith.constant 0 : i32
      %dma_start3A_182 = tpu.memref_slice %arg13[%dma_start3A_181] : memref<161792xf32, #tpu.memory_space<vmem_shared>> -> memref<161792xf32, #tpu.memory_space<vmem_shared>>
      tpu.enqueue_indirect_dma source(%dma_start3A_177 : memref<128xf32, #tpu.memory_space<vmem>>) target(%dma_start3A_182 : memref<161792xf32, #tpu.memory_space<vmem_shared>>) offsets(%dma_start3A_180 : memref<128xi32, #tpu.memory_space<vmem>>) semaphore(%arg15 : memref<!tpu.dma_semaphore, #tpu.memory_space<semaphore_mem>>) {add = true}
      %dma_start3A_183 = arith.constant 8 : i32
      %dma_start3A_184 = arith.constant 768 : i32
      %dma_start3A_185 = tpu.memref_slice %arg11[%dma_start3A_184] : memref<1040xf32, #tpu.memory_space<vmem>> -> memref<128xf32, #tpu.memory_space<vmem>>
      %dma_start3A_186 = arith.constant 0 : i32
      %dma_start3A_187 = tpu.memref_slice %arg8[%dma_start3A_183, %dma_start3A_186] : memref<10x128xi32, #tpu.memory_space<vmem>> -> memref<1x128xi32, #tpu.memory_space<vmem>>
      %dma_start3A_188 = tpu.memref_squeeze %dma_start3A_187 : memref<1x128xi32, #tpu.memory_space<vmem>> -> memref<128xi32, #tpu.memory_space<vmem>>
      %dma_start3A_189 = arith.constant 0 : i32
      %dma_start3A_190 = tpu.memref_slice %arg13[%dma_start3A_189] : memref<161792xf32, #tpu.memory_space<vmem_shared>> -> memref<161792xf32, #tpu.memory_space<vmem_shared>>
      tpu.enqueue_indirect_dma source(%dma_start3A_185 : memref<128xf32, #tpu.memory_space<vmem>>) target(%dma_start3A_190 : memref<161792xf32, #tpu.memory_space<vmem_shared>>) offsets(%dma_start3A_188 : memref<128xi32, #tpu.memory_space<vmem>>) semaphore(%arg15 : memref<!tpu.dma_semaphore, #tpu.memory_space<semaphore_mem>>) {add = true}
      %dma_start3A_191 = arith.constant 9 : i32
      %dma_start3A_192 = arith.constant 896 : i32
      %dma_start3A_193 = tpu.memref_slice %arg11[%dma_start3A_192] : memref<1040xf32, #tpu.memory_space<vmem>> -> memref<128xf32, #tpu.memory_space<vmem>>
      %dma_start3A_194 = arith.constant 0 : i32
      %dma_start3A_195 = tpu.memref_slice %arg8[%dma_start3A_191, %dma_start3A_194] : memref<10x128xi32, #tpu.memory_space<vmem>> -> memref<1x128xi32, #tpu.memory_space<vmem>>
      %dma_start3A_196 = tpu.memref_squeeze %dma_start3A_195 : memref<1x128xi32, #tpu.memory_space<vmem>> -> memref<128xi32, #tpu.memory_space<vmem>>
      %dma_start3A_197 = arith.constant 0 : i32
      %dma_start3A_198 = tpu.memref_slice %arg13[%dma_start3A_197] : memref<161792xf32, #tpu.memory_space<vmem_shared>> -> memref<161792xf32, #tpu.memory_space<vmem_shared>>
      tpu.enqueue_indirect_dma source(%dma_start3A_193 : memref<128xf32, #tpu.memory_space<vmem>>) target(%dma_start3A_198 : memref<161792xf32, #tpu.memory_space<vmem_shared>>) offsets(%dma_start3A_196 : memref<128xi32, #tpu.memory_space<vmem>>) semaphore(%arg15 : memref<!tpu.dma_semaphore, #tpu.memory_space<semaphore_mem>>) {add = true}
      %dma_wait3A_199 = arith.constant 0 : i32
      %dma_wait3A_200 = arith.constant 0 : i32
      %dma_wait3A_201 = arith.constant 0 : i32
      %dma_wait3A_202 = tpu.memref_slice %arg9[%dma_wait3A_200, %dma_wait3A_201] : memref<128x128xf32, #tpu.memory_space<vmem>> -> memref<64x128xf32, #tpu.memory_space<vmem>>
      %dma_wait3A_203 = arith.constant 0 : i32
      %dma_wait3A_204 = tpu.memref_slice %arg8[%dma_wait3A_199, %dma_wait3A_203] : memref<10x128xi32, #tpu.memory_space<vmem>> -> memref<1x64xi32, #tpu.memory_space<vmem>>
      %dma_wait3A_205 = tpu.memref_squeeze %dma_wait3A_204 : memref<1x64xi32, #tpu.memory_space<vmem>> -> memref<64xi32, #tpu.memory_space<vmem>>
      %dma_wait3A_206 = arith.constant 0 : i32
      %dma_wait3A_207 = arith.constant 0 : i32
      %dma_wait3A_208 = tpu.memref_slice %arg3[%dma_wait3A_206, %dma_wait3A_207] : memref<10000x128xf32, #tpu.memory_space<hbm>> -> memref<10000x128xf32, #tpu.memory_space<hbm>>
      tpu.wait_indirect_dma semaphore(%arg14 : memref<!tpu.dma_semaphore, #tpu.memory_space<semaphore_mem>>) src(%dma_wait3A_208 : memref<10000x128xf32, #tpu.memory_space<hbm>>) dst(%dma_wait3A_202 : memref<64x128xf32, #tpu.memory_space<vmem>>)
      %dma_wait3A_209 = arith.constant 0 : i32
      %dma_wait3A_210 = arith.constant 64 : i32
      %dma_wait3A_211 = arith.constant 0 : i32
      %dma_wait3A_212 = tpu.memref_slice %arg9[%dma_wait3A_210, %dma_wait3A_211] : memref<128x128xf32, #tpu.memory_space<vmem>> -> memref<64x128xf32, #tpu.memory_space<vmem>>
      %dma_wait3A_213 = arith.constant 64 : i32
      %dma_wait3A_214 = tpu.memref_slice %arg8[%dma_wait3A_209, %dma_wait3A_213] : memref<10x128xi32, #tpu.memory_space<vmem>> -> memref<1x64xi32, #tpu.memory_space<vmem>>
      %dma_wait3A_215 = tpu.memref_squeeze %dma_wait3A_214 : memref<1x64xi32, #tpu.memory_space<vmem>> -> memref<64xi32, #tpu.memory_space<vmem>>
      %dma_wait3A_216 = arith.constant 0 : i32
      %dma_wait3A_217 = arith.constant 0 : i32
      %dma_wait3A_218 = tpu.memref_slice %arg3[%dma_wait3A_216, %dma_wait3A_217] : memref<10000x128xf32, #tpu.memory_space<hbm>> -> memref<10000x128xf32, #tpu.memory_space<hbm>>
      tpu.wait_indirect_dma semaphore(%arg14 : memref<!tpu.dma_semaphore, #tpu.memory_space<semaphore_mem>>) src(%dma_wait3A_218 : memref<10000x128xf32, #tpu.memory_space<hbm>>) dst(%dma_wait3A_212 : memref<64x128xf32, #tpu.memory_space<vmem>>)
      %scan3A_219 = arith.constant 0 : i32
      %scan3A_220 = arith.constant 0 : i32
      %scan3A_221 = arith.constant 128 : i32
      %scan3A_222 = arith.addi %scan3A_220, %scan3A_221 : i32
      %scan3A_223 = arith.constant 2 : i32
      %scan3A_224 = scf.for %scan3A_291 = %scan3A_220 to %scan3A_222 step %scan3A_223 iter_args(%scan3A_292 = %scan3A_219) -> (i32)  : i32 {
        %mul3A_293 = arith.constant 8 : i32
        %mul3A_294 = arith.muli %scan3A_291, %mul3A_293 : i32
        %get3A = arith.index_cast %mul3A_294 : i32 to index
        %get3A_295 = tpu.vector_load %arg11[%get3A] {strides = array<i32>} : memref<1040xf32, #tpu.memory_space<vmem>>, vector<16xf32>,
        %get3A_296 = vector.shape_cast %get3A_295 : vector<16xf32> to vector<16xf32>
        %get3A_297 = arith.index_cast %scan3A_291 : i32 to index
        %get3A_298 = arith.constant 0 : index
        %get3A_299 = tpu.vector_load %arg9[%get3A_297, %get3A_298] {strides = array<i32>} : memref<128x128xf32, #tpu.memory_space<vmem>>, vector<1x16xf32>,
        %get3A_300 = vector.shape_cast %get3A_299 : vector<1x16xf32> to vector<16xf32>
        %slice3A = vector.extract_strided_slice %get3A_296 {offsets = [0], sizes = [1], strides = [1]} : vector<16xf32> to vector<1xf32>
        %squeeze3A = vector.extract %slice3A[0] : f32 from vector<1xf32>
        %mul3A_301 = vector.broadcast %squeeze3A : f32 to vector<16xf32>
        %mul3A_302 = arith.mulf %get3A_300, %mul3A_301 : vector<16xf32>
        %swap3A = arith.index_cast %scan3A_291 : i32 to index
        %swap3A_303 = arith.constant 0 : index
        %swap3A_304 = tpu.vector_load %arg9[%swap3A, %swap3A_303] {strides = array<i32>} : memref<128x128xf32, #tpu.memory_space<vmem>>, vector<1x16xf32>,
        %swap3A_305 = vector.shape_cast %swap3A_304 : vector<1x16xf32> to vector<16xf32>
        %swap3A_306 = vector.shape_cast %mul3A_302 : vector<16xf32> to vector<1x16xf32>
        tpu.vector_store %arg9[%swap3A, %swap3A_303], %swap3A_306 {strides = array<i32>} : memref<128x128xf32, #tpu.memory_space<vmem>>, vector<1x16xf32>,
        %get3A_307 = arith.index_cast %scan3A_291 : i32 to index
        %get3A_308 = arith.constant 16 : index
        %get3A_309 = tpu.vector_load %arg9[%get3A_307, %get3A_308] {strides = array<i32>} : memref<128x128xf32, #tpu.memory_space<vmem>>, vector<1x16xf32>,
        %get3A_310 = vector.shape_cast %get3A_309 : vector<1x16xf32> to vector<16xf32>
        %slice3A_311 = vector.extract_strided_slice %get3A_296 {offsets = [1], sizes = [1], strides = [1]} : vector<16xf32> to vector<1xf32>
        %squeeze3A_312 = vector.extract %slice3A_311[0] : f32 from vector<1xf32>
        %mul3A_313 = vector.broadcast %squeeze3A_312 : f32 to vector<16xf32>
        %mul3A_314 = arith.mulf %get3A_310, %mul3A_313 : vector<16xf32>
        %swap3A_315 = arith.index_cast %scan3A_291 : i32 to index
        %swap3A_316 = arith.constant 16 : index
        %swap3A_317 = tpu.vector_load %arg9[%swap3A_315, %swap3A_316] {strides = array<i32>} : memref<128x128xf32, #tpu.memory_space<vmem>>, vector<1x16xf32>,
        %swap3A_318 = vector.shape_cast %swap3A_317 : vector<1x16xf32> to vector<16xf32>
        %swap3A_319 = vector.shape_cast %mul3A_314 : vector<16xf32> to vector<1x16xf32>
        tpu.vector_store %arg9[%swap3A_315, %swap3A_316], %swap3A_319 {strides = array<i32>} : memref<128x128xf32, #tpu.memory_space<vmem>>, vector<1x16xf32>,
        %get3A_320 = arith.index_cast %scan3A_291 : i32 to index
        %get3A_321 = arith.constant 32 : index
        %get3A_322 = tpu.vector_load %arg9[%get3A_320, %get3A_321] {strides = array<i32>} : memref<128x128xf32, #tpu.memory_space<vmem>>, vector<1x16xf32>,
        %get3A_323 = vector.shape_cast %get3A_322 : vector<1x16xf32> to vector<16xf32>
        %slice3A_324 = vector.extract_strided_slice %get3A_296 {offsets = [2], sizes = [1], strides = [1]} : vector<16xf32> to vector<1xf32>
        %squeeze3A_325 = vector.extract %slice3A_324[0] : f32 from vector<1xf32>
        %mul3A_326 = vector.broadcast %squeeze3A_325 : f32 to vector<16xf32>
        %mul3A_327 = arith.mulf %get3A_323, %mul3A_326 : vector<16xf32>
        %swap3A_328 = arith.index_cast %scan3A_291 : i32 to index
        %swap3A_329 = arith.constant 32 : index
        %swap3A_330 = tpu.vector_load %arg9[%swap3A_328, %swap3A_329] {strides = array<i32>} : memref<128x128xf32, #tpu.memory_space<vmem>>, vector<1x16xf32>,
        %swap3A_331 = vector.shape_cast %swap3A_330 : vector<1x16xf32> to vector<16xf32>
        %swap3A_332 = vector.shape_cast %mul3A_327 : vector<16xf32> to vector<1x16xf32>
        tpu.vector_store %arg9[%swap3A_328, %swap3A_329], %swap3A_332 {strides = array<i32>} : memref<128x128xf32, #tpu.memory_space<vmem>>, vector<1x16xf32>,
        %get3A_333 = arith.index_cast %scan3A_291 : i32 to index
        %get3A_334 = arith.constant 48 : index
        %get3A_335 = tpu.vector_load %arg9[%get3A_333, %get3A_334] {strides = array<i32>} : memref<128x128xf32, #tpu.memory_space<vmem>>, vector<1x16xf32>,
        %get3A_336 = vector.shape_cast %get3A_335 : vector<1x16xf32> to vector<16xf32>
        %slice3A_337 = vector.extract_strided_slice %get3A_296 {offsets = [3], sizes = [1], strides = [1]} : vector<16xf32> to vector<1xf32>
        %squeeze3A_338 = vector.extract %slice3A_337[0] : f32 from vector<1xf32>
        %mul3A_339 = vector.broadcast %squeeze3A_338 : f32 to vector<16xf32>
        %mul3A_340 = arith.mulf %get3A_336, %mul3A_339 : vector<16xf32>
        %swap3A_341 = arith.index_cast %scan3A_291 : i32 to index
        %swap3A_342 = arith.constant 48 : index
        %swap3A_343 = tpu.vector_load %arg9[%swap3A_341, %swap3A_342] {strides = array<i32>} : memref<128x128xf32, #tpu.memory_space<vmem>>, vector<1x16xf32>,
        %swap3A_344 = vector.shape_cast %swap3A_343 : vector<1x16xf32> to vector<16xf32>
        %swap3A_345 = vector.shape_cast %mul3A_340 : vector<16xf32> to vector<1x16xf32>
        tpu.vector_store %arg9[%swap3A_341, %swap3A_342], %swap3A_345 {strides = array<i32>} : memref<128x128xf32, #tpu.memory_space<vmem>>, vector<1x16xf32>,
        %get3A_346 = arith.index_cast %scan3A_291 : i32 to index
        %get3A_347 = arith.constant 64 : index
        %get3A_348 = tpu.vector_load %arg9[%get3A_346, %get3A_347] {strides = array<i32>} : memref<128x128xf32, #tpu.memory_space<vmem>>, vector<1x16xf32>,
        %get3A_349 = vector.shape_cast %get3A_348 : vector<1x16xf32> to vector<16xf32>
        %slice3A_350 = vector.extract_strided_slice %get3A_296 {offsets = [4], sizes = [1], strides = [1]} : vector<16xf32> to vector<1xf32>
        %squeeze3A_351 = vector.extract %slice3A_350[0] : f32 from vector<1xf32>
        %mul3A_352 = vector.broadcast %squeeze3A_351 : f32 to vector<16xf32>
        %mul3A_353 = arith.mulf %get3A_349, %mul3A_352 : vector<16xf32>
        %swap3A_354 = arith.index_cast %scan3A_291 : i32 to index
        %swap3A_355 = arith.constant 64 : index
        %swap3A_356 = tpu.vector_load %arg9[%swap3A_354, %swap3A_355] {strides = array<i32>} : memref<128x128xf32, #tpu.memory_space<vmem>>, vector<1x16xf32>,
        %swap3A_357 = vector.shape_cast %swap3A_356 : vector<1x16xf32> to vector<16xf32>
        %swap3A_358 = vector.shape_cast %mul3A_353 : vector<16xf32> to vector<1x16xf32>
        tpu.vector_store %arg9[%swap3A_354, %swap3A_355], %swap3A_358 {strides = array<i32>} : memref<128x128xf32, #tpu.memory_space<vmem>>, vector<1x16xf32>,
        %get3A_359 = arith.index_cast %scan3A_291 : i32 to index
        %get3A_360 = arith.constant 80 : index
        %get3A_361 = tpu.vector_load %arg9[%get3A_359, %get3A_360] {strides = array<i32>} : memref<128x128xf32, #tpu.memory_space<vmem>>, vector<1x16xf32>,
        %get3A_362 = vector.shape_cast %get3A_361 : vector<1x16xf32> to vector<16xf32>
        %slice3A_363 = vector.extract_strided_slice %get3A_296 {offsets = [5], sizes = [1], strides = [1]} : vector<16xf32> to vector<1xf32>
        %squeeze3A_364 = vector.extract %slice3A_363[0] : f32 from vector<1xf32>
        %mul3A_365 = vector.broadcast %squeeze3A_364 : f32 to vector<16xf32>
        %mul3A_366 = arith.mulf %get3A_362, %mul3A_365 : vector<16xf32>
        %swap3A_367 = arith.index_cast %scan3A_291 : i32 to index
        %swap3A_368 = arith.constant 80 : index
        %swap3A_369 = tpu.vector_load %arg9[%swap3A_367, %swap3A_368] {strides = array<i32>} : memref<128x128xf32, #tpu.memory_space<vmem>>, vector<1x16xf32>,
        %swap3A_370 = vector.shape_cast %swap3A_369 : vector<1x16xf32> to vector<16xf32>
        %swap3A_371 = vector.shape_cast %mul3A_366 : vector<16xf32> to vector<1x16xf32>
        tpu.vector_store %arg9[%swap3A_367, %swap3A_368], %swap3A_371 {strides = array<i32>} : memref<128x128xf32, #tpu.memory_space<vmem>>, vector<1x16xf32>,
        %get3A_372 = arith.index_cast %scan3A_291 : i32 to index
        %get3A_373 = arith.constant 96 : index
        %get3A_374 = tpu.vector_load %arg9[%get3A_372, %get3A_373] {strides = array<i32>} : memref<128x128xf32, #tpu.memory_space<vmem>>, vector<1x16xf32>,
        %get3A_375 = vector.shape_cast %get3A_374 : vector<1x16xf32> to vector<16xf32>
        %slice3A_376 = vector.extract_strided_slice %get3A_296 {offsets = [6], sizes = [1], strides = [1]} : vector<16xf32> to vector<1xf32>
        %squeeze3A_377 = vector.extract %slice3A_376[0] : f32 from vector<1xf32>
        %mul3A_378 = vector.broadcast %squeeze3A_377 : f32 to vector<16xf32>
        %mul3A_379 = arith.mulf %get3A_375, %mul3A_378 : vector<16xf32>
        %swap3A_380 = arith.index_cast %scan3A_291 : i32 to index
        %swap3A_381 = arith.constant 96 : index
        %swap3A_382 = tpu.vector_load %arg9[%swap3A_380, %swap3A_381] {strides = array<i32>} : memref<128x128xf32, #tpu.memory_space<vmem>>, vector<1x16xf32>,
        %swap3A_383 = vector.shape_cast %swap3A_382 : vector<1x16xf32> to vector<16xf32>
        %swap3A_384 = vector.shape_cast %mul3A_379 : vector<16xf32> to vector<1x16xf32>
        tpu.vector_store %arg9[%swap3A_380, %swap3A_381], %swap3A_384 {strides = array<i32>} : memref<128x128xf32, #tpu.memory_space<vmem>>, vector<1x16xf32>,
        %get3A_385 = arith.index_cast %scan3A_291 : i32 to index
        %get3A_386 = arith.constant 112 : index
        %get3A_387 = tpu.vector_load %arg9[%get3A_385, %get3A_386] {strides = array<i32>} : memref<128x128xf32, #tpu.memory_space<vmem>>, vector<1x16xf32>,
        %get3A_388 = vector.shape_cast %get3A_387 : vector<1x16xf32> to vector<16xf32>
        %slice3A_389 = vector.extract_strided_slice %get3A_296 {offsets = [7], sizes = [1], strides = [1]} : vector<16xf32> to vector<1xf32>
        %squeeze3A_390 = vector.extract %slice3A_389[0] : f32 from vector<1xf32>
        %mul3A_391 = vector.broadcast %squeeze3A_390 : f32 to vector<16xf32>
        %mul3A_392 = arith.mulf %get3A_388, %mul3A_391 : vector<16xf32>
        %swap3A_393 = arith.index_cast %scan3A_291 : i32 to index
        %swap3A_394 = arith.constant 112 : index
        %swap3A_395 = tpu.vector_load %arg9[%swap3A_393, %swap3A_394] {strides = array<i32>} : memref<128x128xf32, #tpu.memory_space<vmem>>, vector<1x16xf32>,
        %swap3A_396 = vector.shape_cast %swap3A_395 : vector<1x16xf32> to vector<16xf32>
        %swap3A_397 = vector.shape_cast %mul3A_392 : vector<16xf32> to vector<1x16xf32>
        tpu.vector_store %arg9[%swap3A_393, %swap3A_394], %swap3A_397 {strides = array<i32>} : memref<128x128xf32, #tpu.memory_space<vmem>>, vector<1x16xf32>,
        %scan3A_398 = arith.constant 0 : i32
        %scan3A_399 = arith.constant 1 : i32
        %scan3A_400 = arith.addi %scan3A_291, %scan3A_399 : i32
        %mul3A_401 = arith.constant 8 : i32
        %mul3A_402 = arith.muli %scan3A_400, %mul3A_401 : i32
        %get3A_403 = arith.index_cast %mul3A_402 : i32 to index
        %get3A_404 = tpu.vector_load %arg11[%get3A_403] {strides = array<i32>} : memref<1040xf32, #tpu.memory_space<vmem>>, vector<16xf32>,
        %get3A_405 = vector.shape_cast %get3A_404 : vector<16xf32> to vector<16xf32>
        %get3A_406 = arith.index_cast %scan3A_400 : i32 to index
        %get3A_407 = arith.constant 0 : index
        %get3A_408 = tpu.vector_load %arg9[%get3A_406, %get3A_407] {strides = array<i32>} : memref<128x128xf32, #tpu.memory_space<vmem>>, vector<1x16xf32>,
        %get3A_409 = vector.shape_cast %get3A_408 : vector<1x16xf32> to vector<16xf32>
        %slice3A_410 = vector.extract_strided_slice %get3A_405 {offsets = [0], sizes = [1], strides = [1]} : vector<16xf32> to vector<1xf32>
        %squeeze3A_411 = vector.extract %slice3A_410[0] : f32 from vector<1xf32>
        %mul3A_412 = vector.broadcast %squeeze3A_411 : f32 to vector<16xf32>
        %mul3A_413 = arith.mulf %get3A_409, %mul3A_412 : vector<16xf32>
        %swap3A_414 = arith.index_cast %scan3A_400 : i32 to index
        %swap3A_415 = arith.constant 0 : index
        %swap3A_416 = tpu.vector_load %arg9[%swap3A_414, %swap3A_415] {strides = array<i32>} : memref<128x128xf32, #tpu.memory_space<vmem>>, vector<1x16xf32>,
        %swap3A_417 = vector.shape_cast %swap3A_416 : vector<1x16xf32> to vector<16xf32>
        %swap3A_418 = vector.shape_cast %mul3A_413 : vector<16xf32> to vector<1x16xf32>
        tpu.vector_store %arg9[%swap3A_414, %swap3A_415], %swap3A_418 {strides = array<i32>} : memref<128x128xf32, #tpu.memory_space<vmem>>, vector<1x16xf32>,
        %get3A_419 = arith.index_cast %scan3A_400 : i32 to index
        %get3A_420 = arith.constant 16 : index
        %get3A_421 = tpu.vector_load %arg9[%get3A_419, %get3A_420] {strides = array<i32>} : memref<128x128xf32, #tpu.memory_space<vmem>>, vector<1x16xf32>,
        %get3A_422 = vector.shape_cast %get3A_421 : vector<1x16xf32> to vector<16xf32>
        %slice3A_423 = vector.extract_strided_slice %get3A_405 {offsets = [1], sizes = [1], strides = [1]} : vector<16xf32> to vector<1xf32>
        %squeeze3A_424 = vector.extract %slice3A_423[0] : f32 from vector<1xf32>
        %mul3A_425 = vector.broadcast %squeeze3A_424 : f32 to vector<16xf32>
        %mul3A_426 = arith.mulf %get3A_422, %mul3A_425 : vector<16xf32>
        %swap3A_427 = arith.index_cast %scan3A_400 : i32 to index
        %swap3A_428 = arith.constant 16 : index
        %swap3A_429 = tpu.vector_load %arg9[%swap3A_427, %swap3A_428] {strides = array<i32>} : memref<128x128xf32, #tpu.memory_space<vmem>>, vector<1x16xf32>,
        %swap3A_430 = vector.shape_cast %swap3A_429 : vector<1x16xf32> to vector<16xf32>
        %swap3A_431 = vector.shape_cast %mul3A_426 : vector<16xf32> to vector<1x16xf32>
        tpu.vector_store %arg9[%swap3A_427, %swap3A_428], %swap3A_431 {strides = array<i32>} : memref<128x128xf32, #tpu.memory_space<vmem>>, vector<1x16xf32>,
        %get3A_432 = arith.index_cast %scan3A_400 : i32 to index
        %get3A_433 = arith.constant 32 : index
        %get3A_434 = tpu.vector_load %arg9[%get3A_432, %get3A_433] {strides = array<i32>} : memref<128x128xf32, #tpu.memory_space<vmem>>, vector<1x16xf32>,
        %get3A_435 = vector.shape_cast %get3A_434 : vector<1x16xf32> to vector<16xf32>
        %slice3A_436 = vector.extract_strided_slice %get3A_405 {offsets = [2], sizes = [1], strides = [1]} : vector<16xf32> to vector<1xf32>
        %squeeze3A_437 = vector.extract %slice3A_436[0] : f32 from vector<1xf32>
        %mul3A_438 = vector.broadcast %squeeze3A_437 : f32 to vector<16xf32>
        %mul3A_439 = arith.mulf %get3A_435, %mul3A_438 : vector<16xf32>
        %swap3A_440 = arith.index_cast %scan3A_400 : i32 to index
        %swap3A_441 = arith.constant 32 : index
        %swap3A_442 = tpu.vector_load %arg9[%swap3A_440, %swap3A_441] {strides = array<i32>} : memref<128x128xf32, #tpu.memory_space<vmem>>, vector<1x16xf32>,
        %swap3A_443 = vector.shape_cast %swap3A_442 : vector<1x16xf32> to vector<16xf32>
        %swap3A_444 = vector.shape_cast %mul3A_439 : vector<16xf32> to vector<1x16xf32>
        tpu.vector_store %arg9[%swap3A_440, %swap3A_441], %swap3A_444 {strides = array<i32>} : memref<128x128xf32, #tpu.memory_space<vmem>>, vector<1x16xf32>,
        %get3A_445 = arith.index_cast %scan3A_400 : i32 to index
        %get3A_446 = arith.constant 48 : index
        %get3A_447 = tpu.vector_load %arg9[%get3A_445, %get3A_446] {strides = array<i32>} : memref<128x128xf32, #tpu.memory_space<vmem>>, vector<1x16xf32>,
        %get3A_448 = vector.shape_cast %get3A_447 : vector<1x16xf32> to vector<16xf32>
        %slice3A_449 = vector.extract_strided_slice %get3A_405 {offsets = [3], sizes = [1], strides = [1]} : vector<16xf32> to vector<1xf32>
        %squeeze3A_450 = vector.extract %slice3A_449[0] : f32 from vector<1xf32>
        %mul3A_451 = vector.broadcast %squeeze3A_450 : f32 to vector<16xf32>
        %mul3A_452 = arith.mulf %get3A_448, %mul3A_451 : vector<16xf32>
        %swap3A_453 = arith.index_cast %scan3A_400 : i32 to index
        %swap3A_454 = arith.constant 48 : index
        %swap3A_455 = tpu.vector_load %arg9[%swap3A_453, %swap3A_454] {strides = array<i32>} : memref<128x128xf32, #tpu.memory_space<vmem>>, vector<1x16xf32>,
        %swap3A_456 = vector.shape_cast %swap3A_455 : vector<1x16xf32> to vector<16xf32>
        %swap3A_457 = vector.shape_cast %mul3A_452 : vector<16xf32> to vector<1x16xf32>
        tpu.vector_store %arg9[%swap3A_453, %swap3A_454], %swap3A_457 {strides = array<i32>} : memref<128x128xf32, #tpu.memory_space<vmem>>, vector<1x16xf32>,
        %get3A_458 = arith.index_cast %scan3A_400 : i32 to index
        %get3A_459 = arith.constant 64 : index
        %get3A_460 = tpu.vector_load %arg9[%get3A_458, %get3A_459] {strides = array<i32>} : memref<128x128xf32, #tpu.memory_space<vmem>>, vector<1x16xf32>,
        %get3A_461 = vector.shape_cast %get3A_460 : vector<1x16xf32> to vector<16xf32>
        %slice3A_462 = vector.extract_strided_slice %get3A_405 {offsets = [4], sizes = [1], strides = [1]} : vector<16xf32> to vector<1xf32>
        %squeeze3A_463 = vector.extract %slice3A_462[0] : f32 from vector<1xf32>
        %mul3A_464 = vector.broadcast %squeeze3A_463 : f32 to vector<16xf32>
        %mul3A_465 = arith.mulf %get3A_461, %mul3A_464 : vector<16xf32>
        %swap3A_466 = arith.index_cast %scan3A_400 : i32 to index
        %swap3A_467 = arith.constant 64 : index
        %swap3A_468 = tpu.vector_load %arg9[%swap3A_466, %swap3A_467] {strides = array<i32>} : memref<128x128xf32, #tpu.memory_space<vmem>>, vector<1x16xf32>,
        %swap3A_469 = vector.shape_cast %swap3A_468 : vector<1x16xf32> to vector<16xf32>
        %swap3A_470 = vector.shape_cast %mul3A_465 : vector<16xf32> to vector<1x16xf32>
        tpu.vector_store %arg9[%swap3A_466, %swap3A_467], %swap3A_470 {strides = array<i32>} : memref<128x128xf32, #tpu.memory_space<vmem>>, vector<1x16xf32>,
        %get3A_471 = arith.index_cast %scan3A_400 : i32 to index
        %get3A_472 = arith.constant 80 : index
        %get3A_473 = tpu.vector_load %arg9[%get3A_471, %get3A_472] {strides = array<i32>} : memref<128x128xf32, #tpu.memory_space<vmem>>, vector<1x16xf32>,
        %get3A_474 = vector.shape_cast %get3A_473 : vector<1x16xf32> to vector<16xf32>
        %slice3A_475 = vector.extract_strided_slice %get3A_405 {offsets = [5], sizes = [1], strides = [1]} : vector<16xf32> to vector<1xf32>
        %squeeze3A_476 = vector.extract %slice3A_475[0] : f32 from vector<1xf32>
        %mul3A_477 = vector.broadcast %squeeze3A_476 : f32 to vector<16xf32>
        %mul3A_478 = arith.mulf %get3A_474, %mul3A_477 : vector<16xf32>
        %swap3A_479 = arith.index_cast %scan3A_400 : i32 to index
        %swap3A_480 = arith.constant 80 : index
        %swap3A_481 = tpu.vector_load %arg9[%swap3A_479, %swap3A_480] {strides = array<i32>} : memref<128x128xf32, #tpu.memory_space<vmem>>, vector<1x16xf32>,
        %swap3A_482 = vector.shape_cast %swap3A_481 : vector<1x16xf32> to vector<16xf32>
        %swap3A_483 = vector.shape_cast %mul3A_478 : vector<16xf32> to vector<1x16xf32>
        tpu.vector_store %arg9[%swap3A_479, %swap3A_480], %swap3A_483 {strides = array<i32>} : memref<128x128xf32, #tpu.memory_space<vmem>>, vector<1x16xf32>,
        %get3A_484 = arith.index_cast %scan3A_400 : i32 to index
        %get3A_485 = arith.constant 96 : index
        %get3A_486 = tpu.vector_load %arg9[%get3A_484, %get3A_485] {strides = array<i32>} : memref<128x128xf32, #tpu.memory_space<vmem>>, vector<1x16xf32>,
        %get3A_487 = vector.shape_cast %get3A_486 : vector<1x16xf32> to vector<16xf32>
        %slice3A_488 = vector.extract_strided_slice %get3A_405 {offsets = [6], sizes = [1], strides = [1]} : vector<16xf32> to vector<1xf32>
        %squeeze3A_489 = vector.extract %slice3A_488[0] : f32 from vector<1xf32>
        %mul3A_490 = vector.broadcast %squeeze3A_489 : f32 to vector<16xf32>
        %mul3A_491 = arith.mulf %get3A_487, %mul3A_490 : vector<16xf32>
        %swap3A_492 = arith.index_cast %scan3A_400 : i32 to index
        %swap3A_493 = arith.constant 96 : index
        %swap3A_494 = tpu.vector_load %arg9[%swap3A_492, %swap3A_493] {strides = array<i32>} : memref<128x128xf32, #tpu.memory_space<vmem>>, vector<1x16xf32>,
        %swap3A_495 = vector.shape_cast %swap3A_494 : vector<1x16xf32> to vector<16xf32>
        %swap3A_496 = vector.shape_cast %mul3A_491 : vector<16xf32> to vector<1x16xf32>
        tpu.vector_store %arg9[%swap3A_492, %swap3A_493], %swap3A_496 {strides = array<i32>} : memref<128x128xf32, #tpu.memory_space<vmem>>, vector<1x16xf32>,
        %get3A_497 = arith.index_cast %scan3A_400 : i32 to index
        %get3A_498 = arith.constant 112 : index
        %get3A_499 = tpu.vector_load %arg9[%get3A_497, %get3A_498] {strides = array<i32>} : memref<128x128xf32, #tpu.memory_space<vmem>>, vector<1x16xf32>,
        %get3A_500 = vector.shape_cast %get3A_499 : vector<1x16xf32> to vector<16xf32>
        %slice3A_501 = vector.extract_strided_slice %get3A_405 {offsets = [7], sizes = [1], strides = [1]} : vector<16xf32> to vector<1xf32>
        %squeeze3A_502 = vector.extract %slice3A_501[0] : f32 from vector<1xf32>
        %mul3A_503 = vector.broadcast %squeeze3A_502 : f32 to vector<16xf32>
        %mul3A_504 = arith.mulf %get3A_500, %mul3A_503 : vector<16xf32>
        %swap3A_505 = arith.index_cast %scan3A_400 : i32 to index
        %swap3A_506 = arith.constant 112 : index
        %swap3A_507 = tpu.vector_load %arg9[%swap3A_505, %swap3A_506] {strides = array<i32>} : memref<128x128xf32, #tpu.memory_space<vmem>>, vector<1x16xf32>,
        %swap3A_508 = vector.shape_cast %swap3A_507 : vector<1x16xf32> to vector<16xf32>
        %swap3A_509 = vector.shape_cast %mul3A_504 : vector<16xf32> to vector<1x16xf32>
        tpu.vector_store %arg9[%swap3A_505, %swap3A_506], %swap3A_509 {strides = array<i32>} : memref<128x128xf32, #tpu.memory_space<vmem>>, vector<1x16xf32>,
        %scan3A_510 = arith.constant 0 : i32
        scf.yield %scan3A_510 : i32
      }
      %scan3A_225 = arith.constant 128 : i32
      %run_scoped3A = arith.constant 1 : i32
      "tpu.region"() ({
        %run_scoped3A_291 = tpu.sem_alloc : memref<!tpu.dma_semaphore, #tpu.memory_space<semaphore_mem>>
        %dma_start3A_292 = arith.constant 0 : i32
        %dma_start3A_293 = tpu.memref_slice %arg8[%run_scoped3A, %dma_start3A_292] : memref<10x128xi32, #tpu.memory_space<vmem>> -> memref<1x128xi32, #tpu.memory_space<vmem>>
        %dma_start3A_294 = tpu.memref_squeeze %dma_start3A_293 : memref<1x128xi32, #tpu.memory_space<vmem>> -> memref<128xi32, #tpu.memory_space<vmem>>
        %dma_start3A_295 = arith.constant 0 : i32
        %dma_start3A_296 = arith.constant 0 : i32
        %dma_start3A_297 = tpu.memref_slice %arg12[%dma_start3A_295, %dma_start3A_296] : memref<10112x128xf32, #tpu.memory_space<vmem_shared>> -> memref<10112x128xf32, #tpu.memory_space<vmem_shared>>
        tpu.enqueue_indirect_dma source(%arg9 : memref<128x128xf32, #tpu.memory_space<vmem>>) target(%dma_start3A_297 : memref<10112x128xf32, #tpu.memory_space<vmem_shared>>) offsets(%dma_start3A_294 : memref<128xi32, #tpu.memory_space<vmem>>) semaphore(%run_scoped3A_291 : memref<!tpu.dma_semaphore, #tpu.memory_space<semaphore_mem>>) {add = true}
        %dma_wait3A_298 = arith.constant 0 : i32
        %dma_wait3A_299 = tpu.memref_slice %arg8[%run_scoped3A, %dma_wait3A_298] : memref<10x128xi32, #tpu.memory_space<vmem>> -> memref<1x128xi32, #tpu.memory_space<vmem>>
        %dma_wait3A_300 = tpu.memref_squeeze %dma_wait3A_299 : memref<1x128xi32, #tpu.memory_space<vmem>> -> memref<128xi32, #tpu.memory_space<vmem>>
        %dma_wait3A_301 = arith.constant 0 : i32
        %dma_wait3A_302 = arith.constant 0 : i32
        %dma_wait3A_303 = tpu.memref_slice %arg12[%dma_wait3A_301, %dma_wait3A_302] : memref<10112x128xf32, #tpu.memory_space<vmem_shared>> -> memref<10112x128xf32, #tpu.memory_space<vmem_shared>>
        tpu.wait_indirect_dma semaphore(%run_scoped3A_291 : memref<!tpu.dma_semaphore, #tpu.memory_space<semaphore_mem>>) src(%arg9 : memref<128x128xf32, #tpu.memory_space<vmem>>) dst(%dma_wait3A_303 : memref<10112x128xf32, #tpu.memory_space<vmem_shared>>)
        tpu.yield
      }) : () -> ()
      %dma_wait3A_226 = arith.constant 2 : i32
      %dma_wait3A_227 = arith.constant 0 : i32
      %dma_wait3A_228 = tpu.memref_slice %arg11[%dma_wait3A_227] : memref<1040xf32, #tpu.memory_space<vmem>> -> memref<128xf32, #tpu.memory_space<vmem>>
      %dma_wait3A_229 = arith.constant 0 : i32
      %dma_wait3A_230 = tpu.memref_slice %arg8[%dma_wait3A_226, %dma_wait3A_229] : memref<10x128xi32, #tpu.memory_space<vmem>> -> memref<1x128xi32, #tpu.memory_space<vmem>>
      %dma_wait3A_231 = tpu.memref_squeeze %dma_wait3A_230 : memref<1x128xi32, #tpu.memory_space<vmem>> -> memref<128xi32, #tpu.memory_space<vmem>>
      %dma_wait3A_232 = arith.constant 0 : i32
      %dma_wait3A_233 = tpu.memref_slice %arg13[%dma_wait3A_232] : memref<161792xf32, #tpu.memory_space<vmem_shared>> -> memref<161792xf32, #tpu.memory_space<vmem_shared>>
      tpu.wait_indirect_dma semaphore(%arg15 : memref<!tpu.dma_semaphore, #tpu.memory_space<semaphore_mem>>) src(%dma_wait3A_228 : memref<128xf32, #tpu.memory_space<vmem>>) dst(%dma_wait3A_233 : memref<161792xf32, #tpu.memory_space<vmem_shared>>)
      %dma_wait3A_234 = arith.constant 3 : i32
      %dma_wait3A_235 = arith.constant 128 : i32
      %dma_wait3A_236 = tpu.memref_slice %arg11[%dma_wait3A_235] : memref<1040xf32, #tpu.memory_space<vmem>> -> memref<128xf32, #tpu.memory_space<vmem>>
      %dma_wait3A_237 = arith.constant 0 : i32
      %dma_wait3A_238 = tpu.memref_slice %arg8[%dma_wait3A_234, %dma_wait3A_237] : memref<10x128xi32, #tpu.memory_space<vmem>> -> memref<1x128xi32, #tpu.memory_space<vmem>>
      %dma_wait3A_239 = tpu.memref_squeeze %dma_wait3A_238 : memref<1x128xi32, #tpu.memory_space<vmem>> -> memref<128xi32, #tpu.memory_space<vmem>>
      %dma_wait3A_240 = arith.constant 0 : i32
      %dma_wait3A_241 = tpu.memref_slice %arg13[%dma_wait3A_240] : memref<161792xf32, #tpu.memory_space<vmem_shared>> -> memref<161792xf32, #tpu.memory_space<vmem_shared>>
      tpu.wait_indirect_dma semaphore(%arg15 : memref<!tpu.dma_semaphore, #tpu.memory_space<semaphore_mem>>) src(%dma_wait3A_236 : memref<128xf32, #tpu.memory_space<vmem>>) dst(%dma_wait3A_241 : memref<161792xf32, #tpu.memory_space<vmem_shared>>)
      %dma_wait3A_242 = arith.constant 4 : i32
      %dma_wait3A_243 = arith.constant 256 : i32
      %dma_wait3A_244 = tpu.memref_slice %arg11[%dma_wait3A_243] : memref<1040xf32, #tpu.memory_space<vmem>> -> memref<128xf32, #tpu.memory_space<vmem>>
      %dma_wait3A_245 = arith.constant 0 : i32
      %dma_wait3A_246 = tpu.memref_slice %arg8[%dma_wait3A_242, %dma_wait3A_245] : memref<10x128xi32, #tpu.memory_space<vmem>> -> memref<1x128xi32, #tpu.memory_space<vmem>>
      %dma_wait3A_247 = tpu.memref_squeeze %dma_wait3A_246 : memref<1x128xi32, #tpu.memory_space<vmem>> -> memref<128xi32, #tpu.memory_space<vmem>>
      %dma_wait3A_248 = arith.constant 0 : i32
      %dma_wait3A_249 = tpu.memref_slice %arg13[%dma_wait3A_248] : memref<161792xf32, #tpu.memory_space<vmem_shared>> -> memref<161792xf32, #tpu.memory_space<vmem_shared>>
      tpu.wait_indirect_dma semaphore(%arg15 : memref<!tpu.dma_semaphore, #tpu.memory_space<semaphore_mem>>) src(%dma_wait3A_244 : memref<128xf32, #tpu.memory_space<vmem>>) dst(%dma_wait3A_249 : memref<161792xf32, #tpu.memory_space<vmem_shared>>)
      %dma_wait3A_250 = arith.constant 5 : i32
      %dma_wait3A_251 = arith.constant 384 : i32
      %dma_wait3A_252 = tpu.memref_slice %arg11[%dma_wait3A_251] : memref<1040xf32, #tpu.memory_space<vmem>> -> memref<128xf32, #tpu.memory_space<vmem>>
      %dma_wait3A_253 = arith.constant 0 : i32
      %dma_wait3A_254 = tpu.memref_slice %arg8[%dma_wait3A_250, %dma_wait3A_253] : memref<10x128xi32, #tpu.memory_space<vmem>> -> memref<1x128xi32, #tpu.memory_space<vmem>>
      %dma_wait3A_255 = tpu.memref_squeeze %dma_wait3A_254 : memref<1x128xi32, #tpu.memory_space<vmem>> -> memref<128xi32, #tpu.memory_space<vmem>>
      %dma_wait3A_256 = arith.constant 0 : i32
      %dma_wait3A_257 = tpu.memref_slice %arg13[%dma_wait3A_256] : memref<161792xf32, #tpu.memory_space<vmem_shared>> -> memref<161792xf32, #tpu.memory_space<vmem_shared>>
      tpu.wait_indirect_dma semaphore(%arg15 : memref<!tpu.dma_semaphore, #tpu.memory_space<semaphore_mem>>) src(%dma_wait3A_252 : memref<128xf32, #tpu.memory_space<vmem>>) dst(%dma_wait3A_257 : memref<161792xf32, #tpu.memory_space<vmem_shared>>)
      %dma_wait3A_258 = arith.constant 6 : i32
      %dma_wait3A_259 = arith.constant 512 : i32
      %dma_wait3A_260 = tpu.memref_slice %arg11[%dma_wait3A_259] : memref<1040xf32, #tpu.memory_space<vmem>> -> memref<128xf32, #tpu.memory_space<vmem>>
      %dma_wait3A_261 = arith.constant 0 : i32
      %dma_wait3A_262 = tpu.memref_slice %arg8[%dma_wait3A_258, %dma_wait3A_261] : memref<10x128xi32, #tpu.memory_space<vmem>> -> memref<1x128xi32, #tpu.memory_space<vmem>>
      %dma_wait3A_263 = tpu.memref_squeeze %dma_wait3A_262 : memref<1x128xi32, #tpu.memory_space<vmem>> -> memref<128xi32, #tpu.memory_space<vmem>>
      %dma_wait3A_264 = arith.constant 0 : i32
      %dma_wait3A_265 = tpu.memref_slice %arg13[%dma_wait3A_264] : memref<161792xf32, #tpu.memory_space<vmem_shared>> -> memref<161792xf32, #tpu.memory_space<vmem_shared>>
      tpu.wait_indirect_dma semaphore(%arg15 : memref<!tpu.dma_semaphore, #tpu.memory_space<semaphore_mem>>) src(%dma_wait3A_260 : memref<128xf32, #tpu.memory_space<vmem>>) dst(%dma_wait3A_265 : memref<161792xf32, #tpu.memory_space<vmem_shared>>)
      %dma_wait3A_266 = arith.constant 7 : i32
      %dma_wait3A_267 = arith.constant 640 : i32
      %dma_wait3A_268 = tpu.memref_slice %arg11[%dma_wait3A_267] : memref<1040xf32, #tpu.memory_space<vmem>> -> memref<128xf32, #tpu.memory_space<vmem>>
      %dma_wait3A_269 = arith.constant 0 : i32
      %dma_wait3A_270 = tpu.memref_slice %arg8[%dma_wait3A_266, %dma_wait3A_269] : memref<10x128xi32, #tpu.memory_space<vmem>> -> memref<1x128xi32, #tpu.memory_space<vmem>>
      %dma_wait3A_271 = tpu.memref_squeeze %dma_wait3A_270 : memref<1x128xi32, #tpu.memory_space<vmem>> -> memref<128xi32, #tpu.memory_space<vmem>>
      %dma_wait3A_272 = arith.constant 0 : i32
      %dma_wait3A_273 = tpu.memref_slice %arg13[%dma_wait3A_272] : memref<161792xf32, #tpu.memory_space<vmem_shared>> -> memref<161792xf32, #tpu.memory_space<vmem_shared>>
      tpu.wait_indirect_dma semaphore(%arg15 : memref<!tpu.dma_semaphore, #tpu.memory_space<semaphore_mem>>) src(%dma_wait3A_268 : memref<128xf32, #tpu.memory_space<vmem>>) dst(%dma_wait3A_273 : memref<161792xf32, #tpu.memory_space<vmem_shared>>)
      %dma_wait3A_274 = arith.constant 8 : i32
      %dma_wait3A_275 = arith.constant 768 : i32
      %dma_wait3A_276 = tpu.memref_slice %arg11[%dma_wait3A_275] : memref<1040xf32, #tpu.memory_space<vmem>> -> memref<128xf32, #tpu.memory_space<vmem>>
      %dma_wait3A_277 = arith.constant 0 : i32
      %dma_wait3A_278 = tpu.memref_slice %arg8[%dma_wait3A_274, %dma_wait3A_277] : memref<10x128xi32, #tpu.memory_space<vmem>> -> memref<1x128xi32, #tpu.memory_space<vmem>>
      %dma_wait3A_279 = tpu.memref_squeeze %dma_wait3A_278 : memref<1x128xi32, #tpu.memory_space<vmem>> -> memref<128xi32, #tpu.memory_space<vmem>>
      %dma_wait3A_280 = arith.constant 0 : i32
      %dma_wait3A_281 = tpu.memref_slice %arg13[%dma_wait3A_280] : memref<161792xf32, #tpu.memory_space<vmem_shared>> -> memref<161792xf32, #tpu.memory_space<vmem_shared>>
      tpu.wait_indirect_dma semaphore(%arg15 : memref<!tpu.dma_semaphore, #tpu.memory_space<semaphore_mem>>) src(%dma_wait3A_276 : memref<128xf32, #tpu.memory_space<vmem>>) dst(%dma_wait3A_281 : memref<161792xf32, #tpu.memory_space<vmem_shared>>)
      %dma_wait3A_282 = arith.constant 9 : i32
      %dma_wait3A_283 = arith.constant 896 : i32
      %dma_wait3A_284 = tpu.memref_slice %arg11[%dma_wait3A_283] : memref<1040xf32, #tpu.memory_space<vmem>> -> memref<128xf32, #tpu.memory_space<vmem>>
      %dma_wait3A_285 = arith.constant 0 : i32
      %dma_wait3A_286 = tpu.memref_slice %arg8[%dma_wait3A_282, %dma_wait3A_285] : memref<10x128xi32, #tpu.memory_space<vmem>> -> memref<1x128xi32, #tpu.memory_space<vmem>>
      %dma_wait3A_287 = tpu.memref_squeeze %dma_wait3A_286 : memref<1x128xi32, #tpu.memory_space<vmem>> -> memref<128xi32, #tpu.memory_space<vmem>>
      %dma_wait3A_288 = arith.constant 0 : i32
      %dma_wait3A_289 = tpu.memref_slice %arg13[%dma_wait3A_288] : memref<161792xf32, #tpu.memory_space<vmem_shared>> -> memref<161792xf32, #tpu.memory_space<vmem_shared>>
      tpu.wait_indirect_dma semaphore(%arg15 : memref<!tpu.dma_semaphore, #tpu.memory_space<semaphore_mem>>) src(%dma_wait3A_284 : memref<128xf32, #tpu.memory_space<vmem>>) dst(%dma_wait3A_289 : memref<161792xf32, #tpu.memory_space<vmem_shared>>)
      %scan3A_290 = arith.constant 0 : i32
      scf.yield %scan3A_290 : i32
    }
    %scan3A_55 = arith.constant 81 : i32
    %barrier3A_56 = arith.constant 0 : index
    tpu.barrier barrier_id(%barrier3A_56)
    "tpu.region"() ({
      %run_scoped3A = tpu.sem_alloc : memref<!tpu.dma_semaphore, #tpu.memory_space<semaphore_mem>>
      %dma_start3A = arith.constant 0 : i32
      %dma_start3A_57 = tpu.memref_slice %arg6[%arg0, %mul3A_16, %dma_start3A] : memref<2x10112x128xf32, #tpu.memory_space<hbm>> -> memref<1x632x128xf32, #tpu.memory_space<hbm>>
      %dma_start3A_58 = tpu.memref_squeeze %dma_start3A_57 : memref<1x632x128xf32, #tpu.memory_space<hbm>> -> memref<632x128xf32, #tpu.memory_space<hbm>>
      %dma_start3A_59 = arith.constant 0 : i32
      %dma_start3A_60 = tpu.memref_slice %arg12[%mul3A_16, %dma_start3A_59] : memref<10112x128xf32, #tpu.memory_space<vmem_shared>> -> memref<632x128xf32, #tpu.memory_space<vmem_shared>>
      tpu.enqueue_dma source(%dma_start3A_60 : memref<632x128xf32, #tpu.memory_space<vmem_shared>>) target(%dma_start3A_58 : memref<632x128xf32, #tpu.memory_space<hbm>>) target_semaphore(%run_scoped3A : memref<!tpu.dma_semaphore, #tpu.memory_space<semaphore_mem>>)
      %dma_wait3A = arith.constant 0 : i32
      %dma_wait3A_61 = tpu.memref_slice %arg6[%arg0, %mul3A_16, %dma_wait3A] : memref<2x10112x128xf32, #tpu.memory_space<hbm>> -> memref<1x632x128xf32, #tpu.memory_space<hbm>>
      %dma_wait3A_62 = tpu.memref_squeeze %dma_wait3A_61 : memref<1x632x128xf32, #tpu.memory_space<hbm>> -> memref<632x128xf32, #tpu.memory_space<hbm>>
      %dma_wait3A_63 = arith.constant 0 : i32
      %dma_wait3A_64 = tpu.memref_slice %arg12[%mul3A_16, %dma_wait3A_63] : memref<10112x128xf32, #tpu.memory_space<vmem_shared>> -> memref<632x128xf32, #tpu.memory_space<vmem_shared>>
      tpu.wait_dma2 semaphore(%run_scoped3A : memref<!tpu.dma_semaphore, #tpu.memory_space<semaphore_mem>>) src(%dma_wait3A_64 : memref<632x128xf32, #tpu.memory_space<vmem_shared>>) dst(%dma_wait3A_62 : memref<632x128xf32, #tpu.memory_space<hbm>>)
      tpu.yield
    }) : () -> ()
    "tpu.region"() ({
      %run_scoped3A = tpu.sem_alloc : memref<!tpu.dma_semaphore, #tpu.memory_space<semaphore_mem>>
      %dma_start3A = tpu.memref_slice %arg7[%arg0, %mul3A_28] : memref<2x161792xf32, #tpu.memory_space<hbm>> -> memref<1x10112xf32, #tpu.memory_space<hbm>>
      %dma_start3A_57 = tpu.memref_squeeze %dma_start3A : memref<1x10112xf32, #tpu.memory_space<hbm>> -> memref<10112xf32, #tpu.memory_space<hbm>>
      %dma_start3A_58 = tpu.memref_slice %arg13[%mul3A_28] : memref<161792xf32, #tpu.memory_space<vmem_shared>> -> memref<10112xf32, #tpu.memory_space<vmem_shared>>
      tpu.enqueue_dma source(%dma_start3A_58 : memref<10112xf32, #tpu.memory_space<vmem_shared>>) target(%dma_start3A_57 : memref<10112xf32, #tpu.memory_space<hbm>>) target_semaphore(%run_scoped3A : memref<!tpu.dma_semaphore, #tpu.memory_space<semaphore_mem>>)
      %dma_wait3A = tpu.memref_slice %arg7[%arg0, %mul3A_28] : memref<2x161792xf32, #tpu.memory_space<hbm>> -> memref<1x10112xf32, #tpu.memory_space<hbm>>
      %dma_wait3A_59 = tpu.memref_squeeze %dma_wait3A : memref<1x10112xf32, #tpu.memory_space<hbm>> -> memref<10112xf32, #tpu.memory_space<hbm>>
      %dma_wait3A_60 = tpu.memref_slice %arg13[%mul3A_28] : memref<161792xf32, #tpu.memory_space<vmem_shared>> -> memref<10112xf32, #tpu.memory_space<vmem_shared>>
      tpu.wait_dma2 semaphore(%run_scoped3A : memref<!tpu.dma_semaphore, #tpu.memory_space<semaphore_mem>>) src(%dma_wait3A_60 : memref<10112xf32, #tpu.memory_space<vmem_shared>>) dst(%dma_wait3A_59 : memref<10112xf32, #tpu.memory_space<hbm>>)
      tpu.yield
    }) : () -> ()
    return
  }
}

module attributes {stable_mosaic.version = 14 : i64} {
  func.func @_proj_body(%arg0: i32, %arg1: memref<1000x128xf32, #tpu.memory_space<vmem>>, %arg2: memref<128x128xf32, #tpu.memory_space<vmem>>, %arg3: memref<1x128xf32, #tpu.memory_space<vmem>>, %arg4: memref<1x128xf32, #tpu.memory_space<vmem>>, %arg5: memref<1000x128xf32, #tpu.memory_space<vmem>>, %arg6: memref<1000x128xf32, #tpu.memory_space<vmem>>, %arg7: memref<1000x128xf32, #tpu.memory_space<vmem>>) attributes {dimension_semantics = [#tpu.dimension_semantics<arbitrary>], iteration_bounds = array<i64: 10>, scalar_prefetch = 0 : i64, scratch_operands = 0 : i64, tpu.core_type = #tpu.core_type<tc>, window_params = [{transform_indices = @transform_0, window_bounds = array<i64: 1000, 128>}, {pipeline_mode = #tpu.pipeline_mode<synchronous>, transform_indices = @transform_1, window_bounds = array<i64: 128, 128>}, {pipeline_mode = #tpu.pipeline_mode<synchronous>, transform_indices = @transform_2, window_bounds = array<i64: 1, 128>}, {pipeline_mode = #tpu.pipeline_mode<synchronous>, transform_indices = @transform_3, window_bounds = array<i64: 1, 128>}, {transform_indices = @transform_4, window_bounds = array<i64: 1000, 128>}, {transform_indices = @transform_5, window_bounds = array<i64: 1000, 128>}, {transform_indices = @transform_6, window_bounds = array<i64: 1000, 128>}]} {
    %get3A = arith.constant 0 : index
    %get3A_0 = arith.constant 0 : index
    %get3A_1 = vector.load %arg1[%get3A, %get3A_0] : memref<1000x128xf32, #tpu.memory_space<vmem>>, vector<1000x128xf32>
    %get3A_2 = arith.constant 0 : index
    %get3A_3 = arith.constant 0 : index
    %get3A_4 = vector.load %arg2[%get3A_2, %get3A_3] : memref<128x128xf32, #tpu.memory_space<vmem>>, vector<128x128xf32>
    %dot_general3A = arith.constant dense<0.000000e+00> : vector<1000x128xf32>
    %dot_general3A_5 = tpu.matmul %get3A_1, %get3A_4, %dot_general3A {dimension_numbers = #tpu.dot_dimension_numbers<[1], [0], [0], [1], [0, 0, 1, 1], [], []>, transpose_lhs_hint = false} : vector<1000x128xf32>, vector<128x128xf32>, vector<1000x128xf32> -> vector<1000x128xf32>
    %swap3A = arith.constant 0 : index
    %swap3A_6 = arith.constant 0 : index
    %swap3A_7 = vector.load %arg5[%swap3A, %swap3A_6] : memref<1000x128xf32, #tpu.memory_space<vmem>>, vector<1000x128xf32>
    tpu.vector_store %arg5[%swap3A, %swap3A_6], %dot_general3A_5 {strides = array<i32>} : memref<1000x128xf32, #tpu.memory_space<vmem>>, vector<1000x128xf32>,
    %iota3A = tpu.iota {dimensions = array<i32: 0>} : vector<128x128xi32>
    %jit3A = arith.constant 16 : i32
    %div3A = vector.broadcast %jit3A : i32 to vector<128x128xi32>
    %div3A_8 = arith.divsi %iota3A, %div3A : vector<128x128xi32>
    %sign3A = arith.constant 0 : i32
    %sign3A_9 = vector.broadcast %sign3A : i32 to vector<128x128xi32>
    %sign3A_10 = arith.cmpi sgt, %iota3A, %sign3A_9 : vector<128x128xi32>
    %sign3A_11 = arith.extui %sign3A_10 : vector<128x128xi1> to vector<128x128xi32>
    %sign3A_12 = arith.constant 0 : i32
    %sign3A_13 = vector.broadcast %sign3A_12 : i32 to vector<128x128xi32>
    %sign3A_14 = arith.cmpi slt, %iota3A, %sign3A_13 : vector<128x128xi32>
    %sign3A_15 = arith.extui %sign3A_14 : vector<128x128xi1> to vector<128x128xi32>
    %sign3A_16 = arith.subi %sign3A_11, %sign3A_15 : vector<128x128xi32>
    %sign3A_17 = arith.constant 0 : i32
    %sign3A_18 = arith.cmpi sgt, %jit3A, %sign3A_17 : i32
    %sign3A_19 = arith.extui %sign3A_18 : i1 to i32
    %sign3A_20 = arith.constant 0 : i32
    %sign3A_21 = arith.cmpi slt, %jit3A, %sign3A_20 : i32
    %sign3A_22 = arith.extui %sign3A_21 : i1 to i32
    %sign3A_23 = arith.subi %sign3A_19, %sign3A_22 : i32
    %ne3A = vector.broadcast %sign3A_23 : i32 to vector<128x128xi32>
    %ne3A_24 = arith.cmpi ne, %sign3A_16, %ne3A : vector<128x128xi32>
    %rem3A = vector.broadcast %jit3A : i32 to vector<128x128xi32>
    %rem3A_25 = arith.remsi %iota3A, %rem3A : vector<128x128xi32>
    %ne3A_26 = arith.constant 0 : i32
    %ne3A_27 = vector.broadcast %ne3A_26 : i32 to vector<128x128xi32>
    %ne3A_28 = arith.cmpi ne, %rem3A_25, %ne3A_27 : vector<128x128xi32>
    %and3A = arith.andi %ne3A_24, %ne3A_28 : vector<128x128xi1>
    %sub3A = arith.constant 1 : i32
    %sub3A_29 = vector.broadcast %sub3A : i32 to vector<128x128xi32>
    %sub3A_30 = arith.subi %div3A_8, %sub3A_29 : vector<128x128xi32>
    %select_n3A = arith.select %and3A, %sub3A_30, %div3A_8 : vector<128x128xi1>, vector<128x128xi32>
    %iota3A_31 = tpu.iota {dimensions = array<i32: 1>} : vector<128x128xi32>
    %eq3A = arith.cmpi eq, %select_n3A, %iota3A_31 : vector<128x128xi32>
    %convert_element_type3A = arith.extui %eq3A : vector<128x128xi1> to vector<128x128xi32>
    %convert_element_type3A_32 = arith.sitofp %convert_element_type3A : vector<128x128xi32> to vector<128x128xf32>
    %get3A_33 = arith.constant 0 : index
    %get3A_34 = arith.constant 0 : index
    %get3A_35 = vector.load %arg3[%get3A_33, %get3A_34] : memref<1x128xf32, #tpu.memory_space<vmem>>, vector<1x128xf32>
    %mul3A = vector.broadcast %get3A_35 : vector<1x128xf32> to vector<1000x128xf32>
    %mul3A_36 = arith.mulf %dot_general3A_5, %mul3A : vector<1000x128xf32>
    %dot_general3A_37 = arith.constant dense<0.000000e+00> : vector<1000x128xf32>
    %dot_general3A_38 = tpu.matmul %mul3A_36, %convert_element_type3A_32, %dot_general3A_37 {dimension_numbers = #tpu.dot_dimension_numbers<[1], [0], [0], [1], [0, 0, 1, 1], [], []>, transpose_lhs_hint = false} : vector<1000x128xf32>, vector<128x128xf32>, vector<1000x128xf32> -> vector<1000x128xf32>
    %swap3A_39 = arith.constant 0 : index
    %swap3A_40 = arith.constant 0 : index
    %swap3A_41 = vector.load %arg6[%swap3A_39, %swap3A_40] : memref<1000x128xf32, #tpu.memory_space<vmem>>, vector<1000x128xf32>
    tpu.vector_store %arg6[%swap3A_39, %swap3A_40], %dot_general3A_38 {strides = array<i32>} : memref<1000x128xf32, #tpu.memory_space<vmem>>, vector<1000x128xf32>,
    %get3A_42 = arith.constant 0 : index
    %get3A_43 = arith.constant 0 : index
    %get3A_44 = vector.load %arg4[%get3A_42, %get3A_43] : memref<1x128xf32, #tpu.memory_space<vmem>>, vector<1x128xf32>
    %mul3A_45 = vector.broadcast %get3A_44 : vector<1x128xf32> to vector<1000x128xf32>
    %mul3A_46 = arith.mulf %dot_general3A_5, %mul3A_45 : vector<1000x128xf32>
    %dot_general3A_47 = arith.constant dense<0.000000e+00> : vector<1000x128xf32>
    %dot_general3A_48 = tpu.matmul %mul3A_46, %convert_element_type3A_32, %dot_general3A_47 {dimension_numbers = #tpu.dot_dimension_numbers<[1], [0], [0], [1], [0, 0, 1, 1], [], []>, transpose_lhs_hint = false} : vector<1000x128xf32>, vector<128x128xf32>, vector<1000x128xf32> -> vector<1000x128xf32>
    %swap3A_49 = arith.constant 0 : index
    %swap3A_50 = arith.constant 0 : index
    %swap3A_51 = vector.load %arg7[%swap3A_49, %swap3A_50] : memref<1000x128xf32, #tpu.memory_space<vmem>>, vector<1000x128xf32>
    tpu.vector_store %arg7[%swap3A_49, %swap3A_50], %dot_general3A_48 {strides = array<i32>} : memref<1000x128xf32, #tpu.memory_space<vmem>>, vector<1000x128xf32>,
    return
  }
  func.func @transform_0(%arg0: i32) -> (i32, i32) {
    %c0_i32 = arith.constant 0 : i32
    %c0_i32_0 = arith.constant 0 : i32
    return %arg0, %c0_i32 : i32, i32
  }
  func.func @transform_1(%arg0: i32) -> (i32, i32) {
    %c0_i32 = arith.constant 0 : i32
    %c0_i32_0 = arith.constant 0 : i32
    %c0_i32_1 = arith.constant 0 : i32
    return %c0_i32, %c0_i32_0 : i32, i32
  }
  func.func @transform_2(%arg0: i32) -> (i32, i32) {
    %c0_i32 = arith.constant 0 : i32
    %c0_i32_0 = arith.constant 0 : i32
    %c0_i32_1 = arith.constant 0 : i32
    return %c0_i32, %c0_i32_0 : i32, i32
  }
  func.func @transform_3(%arg0: i32) -> (i32, i32) {
    %c0_i32 = arith.constant 0 : i32
    %c0_i32_0 = arith.constant 0 : i32
    %c0_i32_1 = arith.constant 0 : i32
    return %c0_i32, %c0_i32_0 : i32, i32
  }
  func.func @transform_4(%arg0: i32) -> (i32, i32) {
    %c0_i32 = arith.constant 0 : i32
    %c0_i32_0 = arith.constant 0 : i32
    return %arg0, %c0_i32 : i32, i32
  }
  func.func @transform_5(%arg0: i32) -> (i32, i32) {
    %c0_i32 = arith.constant 0 : i32
    %c0_i32_0 = arith.constant 0 : i32
    return %arg0, %c0_i32 : i32, i32
  }
  func.func @transform_6(%arg0: i32) -> (i32, i32) {
    %c0_i32 = arith.constant 0 : i32
    %c0_i32_0 = arith.constant 0 : i32
    return %arg0, %c0_i32 : i32, i32
  }
}

module attributes {stable_mosaic.version = 14 : i64} {
  func.func @_combine_body(%arg0: i32, %arg1: memref<2x1000x128xf32, #tpu.memory_space<vmem>>, %arg2: memref<2x1000x16xf32, #tpu.memory_space<vmem>>, %arg3: memref<1x128xf32, #tpu.memory_space<vmem>>, %arg4: memref<1000x128xf32, #tpu.memory_space<vmem>>) attributes {dimension_semantics = [#tpu.dimension_semantics<arbitrary>], iteration_bounds = array<i64: 10>, scalar_prefetch = 0 : i64, scratch_operands = 0 : i64, tpu.core_type = #tpu.core_type<tc>, window_params = [{transform_indices = @transform_0, window_bounds = array<i64: 2, 1000, 128>}, {transform_indices = @transform_1, window_bounds = array<i64: 2, 1000, 16>}, {pipeline_mode = #tpu.pipeline_mode<synchronous>, transform_indices = @transform_2, window_bounds = array<i64: 1, 128>}, {transform_indices = @transform_3, window_bounds = array<i64: 1000, 128>}]} {
    %get3A = arith.constant 0 : index
    %get3A_0 = arith.constant 0 : index
    %get3A_1 = arith.constant 0 : index
    %get3A_2 = vector.load %arg1[%get3A, %get3A_0, %get3A_1] : memref<2x1000x128xf32, #tpu.memory_space<vmem>>, vector<1x1000x128xf32>
    %get3A_3 = vector.shape_cast %get3A_2 : vector<1x1000x128xf32> to vector<1000x128xf32>
    %get3A_4 = arith.constant 1 : index
    %get3A_5 = arith.constant 0 : index
    %get3A_6 = arith.constant 0 : index
    %get3A_7 = vector.load %arg1[%get3A_4, %get3A_5, %get3A_6] : memref<2x1000x128xf32, #tpu.memory_space<vmem>>, vector<1x1000x128xf32>
    %get3A_8 = vector.shape_cast %get3A_7 : vector<1x1000x128xf32> to vector<1000x128xf32>
    %add3A = arith.addf %get3A_3, %get3A_8 : vector<1000x128xf32>
    %get3A_9 = arith.constant 0 : index
    %get3A_10 = arith.constant 0 : index
    %get3A_11 = arith.constant 0 : index
    %get3A_12 = vector.load %arg2[%get3A_9, %get3A_10, %get3A_11] : memref<2x1000x16xf32, #tpu.memory_space<vmem>>, vector<1x1000x16xf32>
    %get3A_13 = vector.shape_cast %get3A_12 : vector<1x1000x16xf32> to vector<1000x16xf32>
    %get3A_14 = arith.constant 1 : index
    %get3A_15 = arith.constant 0 : index
    %get3A_16 = arith.constant 0 : index
    %get3A_17 = vector.load %arg2[%get3A_14, %get3A_15, %get3A_16] : memref<2x1000x16xf32, #tpu.memory_space<vmem>>, vector<1x1000x16xf32>
    %get3A_18 = vector.shape_cast %get3A_17 : vector<1x1000x16xf32> to vector<1000x16xf32>
    %add3A_19 = arith.addf %get3A_13, %get3A_18 : vector<1000x16xf32>
    %add3A_20 = arith.constant 1.000000e-16 : f32
    %add3A_21 = vector.broadcast %add3A_20 : f32 to vector<1000x16xf32>
    %add3A_22 = arith.addf %add3A_19, %add3A_21 : vector<1000x16xf32>
    %div3A = arith.constant 1.000000e+00 : f32
    %div3A_23 = vector.broadcast %div3A : f32 to vector<1000x16xf32>
    %div3A_24 = arith.divf %div3A_23, %add3A_22 : vector<1000x16xf32>
    %iota3A = tpu.iota {dimensions = array<i32: 0>} : vector<16x128xi32>
    %iota3A_25 = tpu.iota {dimensions = array<i32: 1>} : vector<16x128xi32>
    %jit3A = arith.constant 16 : i32
    %div3A_26 = vector.broadcast %jit3A : i32 to vector<16x128xi32>
    %div3A_27 = arith.divsi %iota3A_25, %div3A_26 : vector<16x128xi32>
    %sign3A = arith.constant 0 : i32
    %sign3A_28 = vector.broadcast %sign3A : i32 to vector<16x128xi32>
    %sign3A_29 = arith.cmpi sgt, %iota3A_25, %sign3A_28 : vector<16x128xi32>
    %sign3A_30 = arith.extui %sign3A_29 : vector<16x128xi1> to vector<16x128xi32>
    %sign3A_31 = arith.constant 0 : i32
    %sign3A_32 = vector.broadcast %sign3A_31 : i32 to vector<16x128xi32>
    %sign3A_33 = arith.cmpi slt, %iota3A_25, %sign3A_32 : vector<16x128xi32>
    %sign3A_34 = arith.extui %sign3A_33 : vector<16x128xi1> to vector<16x128xi32>
    %sign3A_35 = arith.subi %sign3A_30, %sign3A_34 : vector<16x128xi32>
    %sign3A_36 = arith.constant 0 : i32
    %sign3A_37 = arith.cmpi sgt, %jit3A, %sign3A_36 : i32
    %sign3A_38 = arith.extui %sign3A_37 : i1 to i32
    %sign3A_39 = arith.constant 0 : i32
    %sign3A_40 = arith.cmpi slt, %jit3A, %sign3A_39 : i32
    %sign3A_41 = arith.extui %sign3A_40 : i1 to i32
    %sign3A_42 = arith.subi %sign3A_38, %sign3A_41 : i32
    %ne3A = vector.broadcast %sign3A_42 : i32 to vector<16x128xi32>
    %ne3A_43 = arith.cmpi ne, %sign3A_35, %ne3A : vector<16x128xi32>
    %rem3A = vector.broadcast %jit3A : i32 to vector<16x128xi32>
    %rem3A_44 = arith.remsi %iota3A_25, %rem3A : vector<16x128xi32>
    %ne3A_45 = arith.constant 0 : i32
    %ne3A_46 = vector.broadcast %ne3A_45 : i32 to vector<16x128xi32>
    %ne3A_47 = arith.cmpi ne, %rem3A_44, %ne3A_46 : vector<16x128xi32>
    %and3A = arith.andi %ne3A_43, %ne3A_47 : vector<16x128xi1>
    %sub3A = arith.constant 1 : i32
    %sub3A_48 = vector.broadcast %sub3A : i32 to vector<16x128xi32>
    %sub3A_49 = arith.subi %div3A_27, %sub3A_48 : vector<16x128xi32>
    %select_n3A = arith.select %and3A, %sub3A_49, %div3A_27 : vector<16x128xi1>, vector<16x128xi32>
    %eq3A = arith.cmpi eq, %iota3A, %select_n3A : vector<16x128xi32>
    %convert_element_type3A = arith.extui %eq3A : vector<16x128xi1> to vector<16x128xi32>
    %convert_element_type3A_50 = arith.sitofp %convert_element_type3A : vector<16x128xi32> to vector<16x128xf32>
    %dot_general3A = arith.constant dense<0.000000e+00> : vector<1000x128xf32>
    %dot_general3A_51 = tpu.matmul %div3A_24, %convert_element_type3A_50, %dot_general3A {dimension_numbers = #tpu.dot_dimension_numbers<[1], [0], [0], [1], [0, 0, 1, 1], [], []>, transpose_lhs_hint = false} : vector<1000x16xf32>, vector<16x128xf32>, vector<1000x128xf32> -> vector<1000x128xf32>
    %mul3A = arith.mulf %add3A, %dot_general3A_51 : vector<1000x128xf32>
    %get3A_52 = arith.constant 0 : index
    %get3A_53 = arith.constant 0 : index
    %get3A_54 = vector.load %arg3[%get3A_52, %get3A_53] : memref<1x128xf32, #tpu.memory_space<vmem>>, vector<1x128xf32>
    %add3A_55 = vector.broadcast %get3A_54 : vector<1x128xf32> to vector<1000x128xf32>
    %add3A_56 = arith.addf %mul3A, %add3A_55 : vector<1000x128xf32>
    %swap3A = arith.constant 0 : index
    %swap3A_57 = arith.constant 0 : index
    %swap3A_58 = vector.load %arg4[%swap3A, %swap3A_57] : memref<1000x128xf32, #tpu.memory_space<vmem>>, vector<1000x128xf32>
    tpu.vector_store %arg4[%swap3A, %swap3A_57], %add3A_56 {strides = array<i32>} : memref<1000x128xf32, #tpu.memory_space<vmem>>, vector<1000x128xf32>,
    return
  }
  func.func @transform_0(%arg0: i32) -> (i32, i32, i32) {
    %c0_i32 = arith.constant 0 : i32
    %c0_i32_0 = arith.constant 0 : i32
    %c0_i32_1 = arith.constant 0 : i32
    return %c0_i32, %arg0, %c0_i32_0 : i32, i32, i32
  }
  func.func @transform_1(%arg0: i32) -> (i32, i32, i32) {
    %c0_i32 = arith.constant 0 : i32
    %c0_i32_0 = arith.constant 0 : i32
    %c0_i32_1 = arith.constant 0 : i32
    return %c0_i32, %arg0, %c0_i32_0 : i32, i32, i32
  }
  func.func @transform_2(%arg0: i32) -> (i32, i32) {
    %c0_i32 = arith.constant 0 : i32
    %c0_i32_0 = arith.constant 0 : i32
    %c0_i32_1 = arith.constant 0 : i32
    return %c0_i32, %c0_i32_0 : i32, i32
  }
  func.func @transform_3(%arg0: i32) -> (i32, i32) {
    %c0_i32 = arith.constant 0 : i32
    %c0_i32_0 = arith.constant 0 : i32
    return %arg0, %c0_i32 : i32, i32
  }
}

</mosaic_0001>

<sc_bundles>
// kernel: kernel.5.cloned.1.call-start
scs
__scs_entry_jumppad:
0x0: {  	(pc) =	sbr.rel $0x88, $3  }
0x1: {  	(tag) =	ssettag $0x0;
	lr =	simm.s32 $0x1  }
0x2: {  	[smem:$0x3F9B] =	sst lr;
	_ =	strace $0xD0000000  }
0x3: {  	_ = 	snop  }
0x4: {  	_ = 	snop  }
0x5: {  	_ = 	snop  }
0x6: {  	_ = 	snop  }
0x7: {  	_ = 	snop  }
__scs_overlays_trampoline_lowered:
0x8: {  	[smem:$0x3FAA] =	sst s0  }
0x9: {  	[smem:$0x3FAB] =	sst s1  }
0xa: {  	[smem:$0x3FAC] =	sst s2  }
0xb: {  	[smem:$0x3FAD] =	sst s3  }
0xc: {  	[smem:$0x3FAE] =	sst s4  }
0xd: {  	[smem:$0x3FAF] =	sst s5  }
0xe: {  	[smem:$0x3FB0] =	sst s6  }
0xf: {  	[smem:$0x3FB1] =	sst s7  }
0x10: {  	[smem:$0x3FB2] =	sst s8  }
0x11: {  	[smem:$0x3FB3] =	sst s9;
	s0 =	simm.s32 @!p0 $0x0  }
0x12: {  	s1 =	sld [smem:$0x3F99];
	s0 =	simm.s32 @p0 $0x1  }
0x13: {  	[smem:$0x3FB4] =	sst s0;
	s0 =	simm.s32 @!p1 $0x0  }
0x14: {  	s2 =	sld [smem:$0x3F98];
	s0 =	simm.s32 @p1 $0x1  }
0x15: {  	[smem:$0x3FB5] =	sst s0;
	s0 =	simm.s32 @!p2 $0x0  }
0x16: {  	s3 =	sld [smem:$0x3FDB];
	s0 =	simm.s32 @p2 $0x1  }
0x17: {  	s4 =	simm.s32 $0x1BF5;
	[smem:$0x3FB7] =	sst s0  }
0x18: {  	s0 =	sld [smem:$0x3F9A];
	_ =	swait.ge [sflag:s4], $0x0  }
0x19: {  	s7 =	sld [smem:$0x3F9B]  }
0x1a: {  	s8 =	sadd.s32 $0xFFFFE003, lr  }
0x1b: {  	s9 =	sadd.s32 $0xFFFFFEF7, lr;
	s5 =	simm.s32 $0xFFFFFFFF;
	p2 =	slt.u32 s8, $0xFFFFF086  }
0x1c: {  	p1 =	slt.u32 s9, $0xF7A;
	s5 =	simm.s32 @!p2 $0x0  }
0x1d: {  	s5 =	simm.s32 @p1 $0x1;
	p0 =	seq.s32 s7, s2  }
0x1e: {  	s7 =	smul.u32 @!p0 $0xF7A, s2;
	p2 =	seq.s32 @!p0 s5, $0x0  }
0x1f: {  	s9 =	smul.u32 $0xF7A, s1;
	s8 =	simm.s32 @!p0 $0x1BF5;
	p2 =	por !p2, p0  }
0x20: {  	[sflag:s8] =	ssyncset.s32 @!p0 $0xFFFFF086;
	s6 =	sadd.s32 @!p0 s3, s7;
	s7 =	simm.s32 @!p0 $0x108  }
0x21: {  	s3 =	sadd.s32 s3, s9;
	s6 =	sadd.s32 @!p0 $0x88, s6;
	s7 =	simm.s32 @p2 $0x1082  }
0x22: {  	[simem:s7], [sflag:s8] =	dma.local @!p0 [hbm:s6], $0xF7A  }
0x23: {  	s9 =	sor.u32 $0xD0000000, s2;
	s6 =	simm.s32 $0x108;
	_ =	swait.ge @!p0 [sflag:s8], $0x0  }
0x24: {  	s3 =	sadd.s32 $0x88, s3;
	s6 =	simm.s32 @!p1 $0x1082;
	[sflag:s4] =	ssyncset.s32 $0xFFFFF086  }
0x25: {  	[simem:s6], [sflag:s4] =	dma.local [hbm:s3], $0xF7A  }
0x26: {  	[smem:$0x3F9B] =	sst s1;
	(tag) =	ssettag s2;
	_ =	strace s9  }
0x27: {  	s1 =	sld [smem:$0x3FAB]  }
0x28: {  	s2 =	sld [smem:$0x3FAC]  }
0x29: {  	s4 =	sld [smem:$0x3FAE]  }
0x2a: {  	p0 =	seq.s32 s5, $0x0;
	s5 =	sld [smem:$0x3FAF]  }
0x2b: {  	s6 =	sld [smem:$0x3FB0]  }
0x2c: {  	s7 =	sld [smem:$0x3FB1]  }
0x2d: {  	s3 =	simm.s32 $0x108;
	s8 =	sld [smem:$0x3FB2]  }
0x2e: {  	s3 =	simm.s32 @!p0 $0x1082;
	s9 =	sld [smem:$0x3FB3]  }
0x2f: {  	lr =	sadd.s32 s0, s3;
	s0 =	sld [smem:$0x3FAA]  }
0x30: {  	s3 =	sld [smem:$0x3FAD]  }
0x31: {  	[smem:$0x3FB6] =	sst s10  }
0x32: {  	s10 =	sld [smem:$0x3FB4];
	_ =	sdelay $0x3  }
0x33: {  	p0 =	seq.s32 s10, $0x1;
	s10 =	sld [smem:$0x3FB6];
	_ =	sdelay $0x3  }
0x34: {  	[smem:$0x3FB6] =	sst s10  }
0x35: {  	s10 =	sld [smem:$0x3FB5];
	_ =	sdelay $0x3  }
0x36: {  	p1 =	seq.s32 s10, $0x1;
	s10 =	sld [smem:$0x3FB6];
	_ =	sdelay $0x3  }
0x37: {  	[smem:$0x3FB6] =	sst s10  }
0x38: {  	s10 =	sld [smem:$0x3FB7]  }
0x39: {  	_ = 	snop;
	(pc) =	sbr.ind lr, $3  }
0x3a: {  	_ = 	snop  }
0x3b: {  	_ = 	snop  }
0x3c: {  	p2 =	seq.s32 s10, $0x1;
	s10 =	sld [smem:$0x3FB6]  }
0x3d: {  	_ =	shalt  }
0x3e: {  	_ =	shalt  }
0x3f: {  	_ =	shalt  }
0x40: {  	_ =	shalt  }
0x41: {  	_ =	shalt  }
0x42: {  	_ =	shalt  }
0x43: {  	_ =	shalt  }
0x44: {  	_ =	shalt  }
0x45: {  	_ =	shalt  }
0x46: {  	_ =	shalt  }
0x47: {  	_ =	shalt  }
0x48: {  	_ =	shalt  }
0x49: {  	_ =	shalt  }
0x4a: {  	_ =	shalt  }
0x4b: {  	_ =	shalt  }
0x4c: {  	_ =	shalt  }
0x4d: {  	_ =	shalt  }
0x4e: {  	_ =	shalt  }
0x4f: {  	_ =	shalt  }
0x50: {  	_ =	shalt  }
0x51: {  	_ =	shalt  }
0x52: {  	_ =	shalt  }
0x53: {  	_ =	shalt  }
0x54: {  	_ =	shalt  }
0x55: {  	_ =	shalt  }
0x56: {  	_ =	shalt  }
0x57: {  	_ =	shalt  }
0x58: {  	_ =	shalt  }
0x59: {  	_ =	shalt  }
0x5a: {  	_ =	shalt  }
0x5b: {  	_ =	shalt  }
0x5c: {  	_ =	shalt  }
0x5d: {  	_ =	shalt  }
0x5e: {  	_ =	shalt  }
0x5f: {  	_ =	shalt  }
0x60: {  	_ =	shalt  }
0x61: {  	_ =	shalt  }
0x62: {  	_ =	shalt  }
0x63: {  	_ =	shalt  }
0x64: {  	_ =	shalt  }
0x65: {  	_ =	shalt  }
0x66: {  	_ =	shalt  }
0x67: {  	_ =	shalt  }
0x68: {  	_ =	shalt  }
0x69: {  	_ =	shalt  }
0x6a: {  	_ =	shalt  }
0x6b: {  	_ =	shalt  }
0x6c: {  	_ =	shalt  }
0x6d: {  	_ =	shalt  }
0x6e: {  	_ =	shalt  }
0x6f: {  	_ =	shalt  }
0x70: {  	_ =	shalt  }
0x71: {  	_ =	shalt  }
0x72: {  	_ =	shalt  }
0x73: {  	_ =	shalt  }
0x74: {  	_ =	shalt  }
0x75: {  	_ =	shalt  }
0x76: {  	_ =	shalt  }
0x77: {  	_ =	shalt  }
0x78: {  	_ =	shalt  }
0x79: {  	_ =	shalt  }
0x7a: {  	_ =	shalt  }
0x7b: {  	_ =	shalt  }
0x7c: {  	_ =	shalt  }
0x7d: {  	_ =	shalt  }
0x7e: {  	_ =	shalt  }
0x7f: {  	_ =	shalt  }
0x80: {  	_ =	shalt  }
0x81: {  	_ =	shalt  }
0x82: {  	_ =	shalt  }
0x83: {  	_ =	shalt  }
0x84: {  	_ =	shalt  }
0x85: {  	_ =	shalt  }
0x86: {  	_ =	shalt  }
0x87: {  	_ =	shalt  }
.Lfunc_end0:
.L_simem_size_0:
called_computation_lowered:
.L_overlay_start_0:
0x88: {  	s2 =	sld [smem:$0x3FD9]  }
0x89: {  	s3 =	sld [smem:$0x3FFE];
	_ =	sdelay $0x1  }
0x8a: {  	s1 =	srdreg.scid  }
0x8b: {  	s0 =	sand.u32 $0x1, s1  }
0x8c: {  	s17 =	sshll.u32 s0, $0xA;
	s2 =	sadd.s32 s3, s2  }
0x8d: {  	s2 =	sadd.s32 s2, s17  }
0x8e: {  	[smem:$0x3FC2] =	sst s2  }
0x8f: {  	_ = 	snop  }
0x90: {  	s2 =	sld [smem:$0x3FD0];
	(tm) =	ssettm $0x1  }
0x91: {  	s18 =	sld [smem:$0x3FFB];
	_ =	sdelay $0x3  }
0x92: {  	_ =	strace s18  }
0x93: {  	s3 =	sld [smem:$0x3FFC];
	_ =	sdelay $0x3  }
0x94: {  	_ =	strace s3  }
0x95: {  	s3 =	sld [smem:$0x3FFD];
	_ =	sdelay $0x3  }
0x96: {  	_ =	strace s3  }
0x97: {  	_ =	strace $0x8FFFFFFF  }
0x98: {  	s19 =	sld [smem:$0x3FDB];
	_ =	sdelay $0x1  }
0x99: {  	s4 =	simm.s32 $_scs_section_size  }
0x9a: {  	s5 =	simm.s32 $_size__tile_overlayer_lowered;
	s6 =	simm.s32 $_tile_overlayer_lowered  }
0x9b: {  	s22 =	simm.s32 $0x1BFF;
	s21 =	sshll.u32 s6, $0x1;
	s3 =	sadd.s32 s4, s19  }
0x9c: {  	s7 =	simm.s32 $0x0;
	s20 =	sshll.u32 s5, $0x1;
	s5 =	sadd.s32 s21, s3  }
0x9d: {  	[timem:s7], [sflag:s22] =	dma.local [hbm:s5], s20  }
0x9e: {  	_ =	swait.ge [sflag:s22], s20  }
0x9f: {  	s4 =	ssub.s32 $0x0, s20;
	[sflag:s22] =	ssyncset.done $0x0  }
0xa0: {  	[sflag:s22] =	ssyncadd.s32 s4;
	_ =	sdelay $0x1  }
0xa1: {  	s23 =	simm.s32 $0x1B8B  }
0xa2: {  	_ =	swait.ge [sflag:s23], $0x1  }
0xa3: {  	[sflag:s23] =	ssyncset.done $0x0  }
0xa4: {  	s25 =	simm.s32 $0x1B8E;
	s24 =	sld [smem:$0x3FFE];
	[sflag:s23] =	ssyncadd.s32 $0xFFFFFFFF  }
0xa5: {  	s26 =	simm.s32 $execute0_lowered;
	[smem:$0x3FD2] =	sst s25  }
0xa6: {  	s5 =	sshll.u32 s26, $0x1;
	_ =	strace $0x80000046;
	[dreg:$0x1] =	wrdreg $0xFFFFFFFF  }
0xa7: {  	s28 =	simm.s32 $_size_execute0_lowered;
	s3 =	sadd.s32 s3, s5;
	[dreg:$0x0] =	wrdreg $0x0  }
0xa8: {  	s5 =	sshll.u32 s28, $0x1;
	[dreg:$0x2] =	wrdreg s3  }
0xa9: {  	[dreg:$0x3] =	wrdreg s5  }
0xaa: {  	[dreg:$0x4] =	wrdreg $0xC0  }
0xab: {  	_ =	task [dreg:s7], $0x5FFFF  }
0xac: {  	[dreg:$0x1] =	wrdreg $0xFFFFFFFF  }
0xad: {  	[dreg:$0x0] =	wrdreg $0x60  }
0xae: {  	[dreg:$0x2] =	wrdreg s24  }
0xaf: {  	[dreg:$0x3] =	wrdreg s2  }
0xb0: {  	[dreg:$0x4] =	wrdreg $0x8C800  }
0xb1: {  	[dreg:$0x5] =	wrdreg $0x1C8800  }
0xb2: {  	[dreg:$0x6] =	wrdreg $0x9  }
0xb3: {  	_ =	task.clear_ibuf [dreg:s7], $0x7FFFF;
	_ =	strace $0x90000046  }
0xb4: {  	s29 =	simm.s32 $0x9;
	_ =	strace $0x80000048  }
0xb5: {  	_ =	swait.ge [sflag:s29], $0x1  }
0xb6: {  	[sflag:s29] =	ssyncadd.s32 $0xFFFFFFFF  }
0xb7: {  	_ =	strace $0x90000048  }
0xb8: {  	_ =	sfence  }
0xb9: {  	s30 =	sld [smem:$0x0];
	_ =	sdelay $0x2  }
0xba: {  	s31 =	sshll.u32 s1, $0xD;
	s1 =	sshrl.u32 s1, $0x2  }
0xbb: {  	s3 =	sand.u32 $0x4000, s31;
	s1 =	sadd.s32 s1, s30  }
0xbc: {  	s0 =	sor.u32 s3, s0;
	s1 =	sshll.u32 s1, $0x11  }
0xbd: {  	s0 =	sor.u32 s1, s0  }
0xbe: {  	s0 =	sadd.s32 $0x8F2B, s0  }
0xbf: {  	[sflag:s0] =	ssyncadd.remote.s32 $0x1  }
0xc0: {  	_ =	sfence.sel $0xFFFF  }
0xc1: {  	[dreg:$0x0] =	wrdreg $0xFFFFFFFF;
	(pc) =	sbr.abs _section_cstart, $3  }
0xc2: {  	[dreg:$0x1] =	wrdreg $0xFFFFFFFF  }
0xc3: {  	_ =	task.clear_ibuf [dreg:s7], $0x2FFFF;
	_ =	strace $0x9FFFFFFF  }
0xc4: {  	(tm) =	ssettm $0x7FFFFFFF  }
0xc5: {  	_ =	shalt  }
tec
execute0_lowered:
.L_overlay_start_1:
0x0: {  	(tag) =	ssettag $0x1  }
0x1: {  	s0 =	rddreg [dreg:$0x0]  }
0x2: {  	s1 =	rddreg [dreg:$0x1]  }
0x3: {  	s13 =	rddreg [dreg:$0x2]  }
0x4: {  	s3 =	rddreg [dreg:$0x3]  }
0x5: {  	s2 =	srdreg.scid;
	s5 =	simm.s32 $0x0;
	s14 =	stileid.u32  }
0x6: {  	s29 =	simm.s32 $0x800;
	s30 =	simm.s32 $0x3;
	s7 =	smul.u32 $0x13C00, s14  }
0x7: {  	s31 =	simm.s32 $0x8800;
	s28 =	simm.s32 $0x400;
	s9 =	smul.u32 $0x4F00, s14  }
0x8: {  	s2 =	sand.u32 $0x1, s2;
	[smem:$0x7FF] =	sst s5;
	s11 =	smul.u32 $0x4F000, s14  }
0x9: {  	s6 =	sadd.s32 $0x50000, s0;
	s8 =	sadd.s32 $0x28800, s0;
	s12 =	smul.u32 $0x9E00, s14  }
0xa: {  	s24 =	sshll.u32 s14, $0x1;
	s4 =	smul.u32 $0x13C000, s2;
	s11 =	sshrl.u32 s11, $0x2  }
0xb: {  	_ =	strace $0x80000047;
	s25 =	sshrl.u32 s12, $0x2;
	s17 =	sadd.s32 s11, s13  }
0xc: {  	s10 =	sshll.u32 s2, $0x7;
	s18 =	sadd.s32 s25, s3;
	[dreg:$0x5] =	wrdreg s17  }
0xd: {  	s22 =	ssub.s32 $0x2, s2;
	s11 =	sadd.s32 $0x4000, s17;
	[dreg:$0x8] =	wrdreg s18  }
0xe: {  	s2 =	sor.u32 s2, s24;
	s26 =	sadd.s32 $0x8000, s17;
	[dreg:$0x6] =	wrdreg s11  }
0xf: {  	s9 =	sor.u32 s10, s9;
	s12 =	sadd.s32 $0xC000, s17;
	[dreg:$0x7] =	wrdreg s26  }
0x10: {  	s23 =	sshrl.u32 s22, $0x1;
	s13 =	sadd.s32 $0x10000, s17;
	[dreg:$0x9] =	wrdreg s12  }
0x11: {  	s4 =	sadd.s32 s7, s4;
	s14 =	sadd.s32 $0x400, s18;
	[dreg:$0xa] =	wrdreg s13  }
0x12: {  	s7 =	sadd.s32 $0x1600, s0;
	s15 =	sadd.s32 $0x800, s18;
	[dreg:$0xb] =	wrdreg s14  }
0x13: {  	s9 =	sshrl.u32 s9, $0x3;
	s16 =	sadd.s32 $0xC00, s18;
	[dreg:$0xc] =	wrdreg s15  }
0x14: {  	s4 =	sshrl.u32 s4, $0x3;
	s19 =	sadd.s32 $0x1000, s18;
	[dreg:$0xd] =	wrdreg s16  }
0x15: {  	s20 =	sadd.s32 $0x1400, s18;
	s21 =	sadd.s32 $0x1800, s18;
	[dreg:$0xe] =	wrdreg s19  }
0x16: {  	s25 =	sadd.s32 $0x2000, s18;
	s4 =	sadd.s32 s4, s0;
	[dreg:$0xf] =	wrdreg s20  }
0x17: {  	s0 =	sadd.s32 s9, s0;
	s9 =	ssub.s32 s22, s23;
	[dreg:$0x10] =	wrdreg s21  }
0x18: {  	s22 =	sadd.s32 $0x1C00, s18;
	[dreg:$0x15] =	wrdreg s25;
	s26 =	sadd.s32 $0x2400, s18  }
0x19: {  	s11 =	simm.s32 $0x2;
	s13 =	simm.s32 $0x40;
	s19 =	simm.s32 $0x8900  }
0x1a: {  	s20 =	simm.s32 $0x280;
	s21 =	simm.s32 $0x8980;
	s25 =	simm.s32 $0x380  }
0x1b: {  	s12 =	simm.s32 $0x480;
	s14 =	simm.s32 $0x0;
	[dreg:$0x11] =	wrdreg s22  }
0x1c: {  	s22 =	smul.u32 $0x28800, s2;
	s23 =	sadd.s32 $0xFBE00, s4;
	[dreg:$0x16] =	wrdreg s26  }
0x1d: {  	s0 =	sadd.s32 $0xF2000, s0;
	s24 =	smax.u32 s9, $0x1;
	[dreg:$0x12] =	wrdreg s23  }
0x1e: {  	s4 =	simm.s32 $0x80;
	s26 =	simm.s32 $0x8A80;
	[dreg:$0x13] =	wrdreg s0  }
0x1f: {  	s9 =	simm.s32 $0x8B00;
	s2 =	simm.s32 $0x8B80;
	[dreg:$0x14] =	wrdreg s24  }
0x20: {  	v0 =	vimm.f32 $0.0e+00;
	s0 =	simm.s32 $0x1;
	s23 =	simm.s32 $0x300;
	s24 =	simm.s32 $0x8A00  }
.LBB2_1:
0x21: {  	[dreg:$0x17] =	wrdreg s14;
	s10 =	simm.s32 $0x0;
	s14 =	simm.s32 $0x0  }
.LBB2_2:
0x22: {  	p0 =	sne.s32 s14, $0xFFC0  }
.Ltmp0:
0x23: {  	_ = 	snop;
	(pc) =	sbr.rel @p0 .LBB2_2-.Ltmp0, $4  }
0x24: {  	s15 =	sand.u32 $0xFE00, s14  }
0x25: {  	s16 =	sand.u32 $0x70, s10;
	s15 =	sshrl.u32 s15, $0x2  }
0x26: {  	s15 =	sor.u32 s16, s15  }
0x27: {  	s10 =	sadd.s32 $0x10, s10;
	s14 =	sadd.s32 $0x40, s14;
	[tilespmem:s15+$0x800] =	vst v0  }
0x28: {  	s10 =	simm.s32 $0x40;
	s14 =	simm.s32 $0x0  }
.LBB2_4:
0x29: {  	p0 =	sne.s32 s10, $0x1000;
	[tilespmem:s14+$0x8800] =	vst v0;
	s14 =	smov.u32 s10;
	s10 =	sadd.s32 $0x40, s10  }
.Ltmp1:
0x2a: {  	(pc) =	sbr.rel @p0 .LBB2_4-.Ltmp1, $2  }
0x2b: {  	_ =	sdelay $0x2  }
0x2c: {  	s14 =	sshra.s32 s14, $0x2  }
0x2d: {  	[tilespmem:s14+$0x8800] =	vst v0  }
0x2e: {  	[spmem:s17] =	stream.linear.scatter [tilespmem:s29], [sflag:$0x3], $0x4000, $0x38;
	[tilespmem:$0x1F000] =	vst v63  }
0x2f: {  	_ =	swait.ge [sflag:s30], $0x4000  }
0x30: {  	[sflag:s30] =	ssyncset.done $0x0  }
0x31: {  	s10 =	rddreg [dreg:$0x6];
	[sflag:s30] =	ssyncadd.s32 $0xFFFFC000  }
0x32: {  	[spmem:s10] =	stream.linear.scatter [tilespmem:s29], [sflag:$0x3], $0x4000, $0x38;
	[tilespmem:$0x1F000] =	vst v63  }
0x33: {  	_ =	swait.ge [sflag:s30], $0x4000  }
0x34: {  	[sflag:s30] =	ssyncset.done $0x0  }
0x35: {  	s16 =	rddreg [dreg:$0x7];
	[sflag:s30] =	ssyncadd.s32 $0xFFFFC000  }
0x36: {  	[spmem:s16] =	stream.linear.scatter [tilespmem:s29], [sflag:$0x3], $0x4000, $0x38;
	[tilespmem:$0x1F000] =	vst v63  }
0x37: {  	_ =	swait.ge [sflag:s30], $0x4000  }
0x38: {  	[sflag:s30] =	ssyncset.done $0x0  }
0x39: {  	s17 =	rddreg [dreg:$0x9];
	[sflag:s30] =	ssyncadd.s32 $0xFFFFC000  }
0x3a: {  	[spmem:s17] =	stream.linear.scatter [tilespmem:s29], [sflag:$0x3], $0x4000, $0x38;
	[tilespmem:$0x1F000] =	vst v63  }
0x3b: {  	_ =	swait.ge [sflag:s30], $0x4000  }
0x3c: {  	[sflag:s30] =	ssyncset.done $0x0  }
0x3d: {  	s14 =	rddreg [dreg:$0xa];
	[sflag:s30] =	ssyncadd.s32 $0xFFFFC000  }
0x3e: {  	[spmem:s14] =	stream.linear.scatter [tilespmem:s29], [sflag:$0x3], $0x3C00, $0x38;
	[tilespmem:$0x1F000] =	vst v63  }
0x3f: {  	_ =	swait.ge [sflag:s30], $0x3C00  }
0x40: {  	[sflag:s30] =	ssyncset.done $0x0  }
0x41: {  	[sflag:s30] =	ssyncadd.s32 $0xFFFFC400  }
0x42: {  	[spmem:s18] =	stream.linear.scatter [tilespmem:s31], [sflag:$0x3], $0x400, $0x38;
	[tilespmem:$0x1F000] =	vst v63  }
0x43: {  	_ =	swait.ge [sflag:s30], $0x400  }
0x44: {  	[sflag:s30] =	ssyncset.done $0x0  }
0x45: {  	s15 =	rddreg [dreg:$0xb];
	[sflag:s30] =	ssyncadd.s32 $0xFFFFFC00  }
0x46: {  	[spmem:s15] =	stream.linear.scatter [tilespmem:s31], [sflag:$0x3], $0x400, $0x38;
	[tilespmem:$0x1F000] =	vst v63  }
0x47: {  	_ =	swait.ge [sflag:s30], $0x400  }
0x48: {  	[sflag:s30] =	ssyncset.done $0x0  }
0x49: {  	s16 =	rddreg [dreg:$0xc];
	[sflag:s30] =	ssyncadd.s32 $0xFFFFFC00  }
0x4a: {  	[spmem:s16] =	stream.linear.scatter [tilespmem:s31], [sflag:$0x3], $0x400, $0x38;
	[tilespmem:$0x1F000] =	vst v63  }
0x4b: {  	_ =	swait.ge [sflag:s30], $0x400  }
0x4c: {  	[sflag:s30] =	ssyncset.done $0x0  }
0x4d: {  	s17 =	rddreg [dreg:$0xd];
	[sflag:s30] =	ssyncadd.s32 $0xFFFFFC00  }
0x4e: {  	[spmem:s17] =	stream.linear.scatter [tilespmem:s31], [sflag:$0x3], $0x400, $0x38;
	[tilespmem:$0x1F000] =	vst v63  }
0x4f: {  	_ =	swait.ge [sflag:s30], $0x400  }
0x50: {  	[sflag:s30] =	ssyncset.done $0x0  }
0x51: {  	s18 =	rddreg [dreg:$0xe];
	[sflag:s30] =	ssyncadd.s32 $0xFFFFFC00  }
0x52: {  	[spmem:s18] =	stream.linear.scatter [tilespmem:s31], [sflag:$0x3], $0x400, $0x38;
	[tilespmem:$0x1F000] =	vst v63  }
0x53: {  	_ =	swait.ge [sflag:s30], $0x400  }
0x54: {  	[sflag:s30] =	ssyncset.done $0x0  }
0x55: {  	s14 =	rddreg [dreg:$0xf];
	[sflag:s30] =	ssyncadd.s32 $0xFFFFFC00  }
0x56: {  	[spmem:s14] =	stream.linear.scatter [tilespmem:s31], [sflag:$0x3], $0x400, $0x38;
	[tilespmem:$0x1F000] =	vst v63  }
0x57: {  	_ =	swait.ge [sflag:s30], $0x400  }
0x58: {  	[sflag:s30] =	ssyncset.done $0x0  }
0x59: {  	s15 =	rddreg [dreg:$0x10];
	[sflag:s30] =	ssyncadd.s32 $0xFFFFFC00  }
0x5a: {  	[spmem:s15] =	stream.linear.scatter [tilespmem:s31], [sflag:$0x3], $0x400, $0x38;
	[tilespmem:$0x1F000] =	vst v63  }
0x5b: {  	_ =	swait.ge [sflag:s30], $0x400  }
0x5c: {  	[sflag:s30] =	ssyncset.done $0x0  }
0x5d: {  	s16 =	rddreg [dreg:$0x11];
	[sflag:s30] =	ssyncadd.s32 $0xFFFFFC00  }
0x5e: {  	[spmem:s16] =	stream.linear.scatter [tilespmem:s31], [sflag:$0x3], $0x400, $0x38;
	[tilespmem:$0x1F000] =	vst v63  }
0x5f: {  	_ =	swait.ge [sflag:s30], $0x400  }
0x60: {  	[sflag:s30] =	ssyncset.done $0x0  }
0x61: {  	s17 =	rddreg [dreg:$0x15];
	[sflag:s30] =	ssyncadd.s32 $0xFFFFFC00  }
0x62: {  	[spmem:s17] =	stream.linear.scatter [tilespmem:s31], [sflag:$0x3], $0x400, $0x38;
	[tilespmem:$0x1F000] =	vst v63  }
0x63: {  	_ =	swait.ge [sflag:s30], $0x400  }
0x64: {  	[sflag:s30] =	ssyncset.done $0x0  }
0x65: {  	s18 =	rddreg [dreg:$0x16];
	[sflag:s30] =	ssyncadd.s32 $0xFFFFFC00  }
0x66: {  	[spmem:s18] =	stream.linear.scatter [tilespmem:s31], [sflag:$0x3], $0x380, $0x38;
	[tilespmem:$0x1F000] =	vst v63  }
0x67: {  	_ =	swait.ge [sflag:s30], $0x380  }
0x68: {  	[sflag:s30] =	ssyncset.done $0x0  }
0x69: {  	[sflag:s30] =	ssyncadd.s32 $0xFFFFFC80  }
0x6a: {  	s10 =	simm.s32 $0x0;
	[bflag:$0x0] =	sbarrier.arrive $0xFFFF  }
.LBB2_6:
0x6b: {  	s14 =	sshll.u32 s10, $0xB  }
0x6c: {  	s14 =	sadd.s32 s22, s14  }
0x6d: {  	s14 =	sshrl.u32 s14, $0x3  }
0x6e: {  	s14 =	sadd.s32 s6, s14  }
0x6f: {  	[tilespmem:s5], [sflag:$0x1] =	stream.linear.gather [hbm4b:s14+s5], $0x500, $0x38;
	[tilespmem:$0x1F000] =	vst v63  }
0x70: {  	_ =	swait.ge [sflag:s0], $0x500  }
0x71: {  	[sflag:s0] =	ssyncset.done $0x0  }
0x72: {  	[sflag:s0] =	ssyncadd.s32 $0xFFFFFB00  }
0x73: {  	[tilespmem:s29], [sflag:$0x1] =	stream.indirect.gather [hbm4b:s7+s4], $0x80, s5, s4, $0xb8;
	[tilespmem:$0x1F000] =	vst v63  }
0x74: {  	s18 =	simm.s32 $0x4800  }
0x75: {  	[tilespmem:s18], [sflag:$0x2] =	stream.indirect.gather [hbm4b:s8+s4], $0x80, s4, s4, $0xb8;
	[tilespmem:$0x1F000] =	vst v63  }
0x76: {  	_ =	swait.ge [sflag:s0], $0x4000  }
0x77: {  	[sflag:s0] =	ssyncset.done $0x0  }
0x78: {  	[sflag:s0] =	ssyncadd.s32 $0xFFFFC000  }
0x79: {  	_ =	swait.ge [sflag:s11], $0x4000  }
0x7a: {  	[sflag:s11] =	ssyncset.done $0x0  }
0x7b: {  	s14 =	simm.s32 $0x900;
	[sflag:s11] =	ssyncadd.s32 $0xFFFFC000  }
0x7c: {  	s16 =	simm.s32 $0x4900;
	v1 =	vld [tilespmem:s14+$0xFFFFFF00]  }
0x7d: {  	v2 =	vld [tilespmem:s16+$0xFFFFFF00];
	_ =	sdelay $0x4  }
0x7e: {  	v1 =	vadd.f32 v2, v1;
	_ =	sdelay $0x1  }
0x7f: {  	v2 =	vmul.f32 $2.000000030e-01, v1;
	_ =	sdelay $0x1  }
0x80: {  	v1 =	vmax.f32 v1, v2  }
0x81: {  	v1 =	vmul.f32 $1.442695020e+00, v1;
	_ =	sdelay $0x1  }
0x82: {  	(erf) = vpow2.f32 v1;
	_ =	sdelay $0x8  }
0x83: {  	s15 =	simm.s32 $0x8810;
	v1 =	vpop (erf)  }
0x84: {  	[tilespmem:s15+$0xFFFFFFF0] =	vst v1  }
0x85: {  	v1 =	vld [tilespmem:s14+$0xFFFFFF80]  }
0x86: {  	v2 =	vld [tilespmem:s16+$0xFFFFFF80];
	_ =	sdelay $0x4  }
0x87: {  	v1 =	vadd.f32 v2, v1;
	_ =	sdelay $0x1  }
0x88: {  	v2 =	vmul.f32 $2.000000030e-01, v1;
	_ =	sdelay $0x1  }
0x89: {  	v1 =	vmax.f32 v1, v2  }
0x8a: {  	v1 =	vmul.f32 $1.442695020e+00, v1;
	_ =	sdelay $0x1  }
0x8b: {  	(erf) = vpow2.f32 v1;
	_ =	sdelay $0x8  }
0x8c: {  	v1 =	vpop (erf)  }
0x8d: {  	[tilespmem:s15+$0xFFFFFFF8] =	vst v1  }
0x8e: {  	v1 =	vld [tilespmem:s14+$0x0]  }
0x8f: {  	v2 =	vld [tilespmem:s16+$0x0];
	_ =	sdelay $0x4  }
0x90: {  	v1 =	vadd.f32 v2, v1;
	_ =	sdelay $0x1  }
0x91: {  	v2 =	vmul.f32 $2.000000030e-01, v1;
	_ =	sdelay $0x1  }
0x92: {  	v1 =	vmax.f32 v1, v2  }
0x93: {  	v1 =	vmul.f32 $1.442695020e+00, v1;
	_ =	sdelay $0x1  }
0x94: {  	(erf) = vpow2.f32 v1;
	_ =	sdelay $0x8  }
0x95: {  	v1 =	vpop (erf)  }
0x96: {  	[tilespmem:s15+$0x0] =	vst v1  }
0x97: {  	v1 =	vld [tilespmem:s14+$0x80]  }
0x98: {  	v2 =	vld [tilespmem:s16+$0x80];
	_ =	sdelay $0x4  }
0x99: {  	v1 =	vadd.f32 v2, v1;
	_ =	sdelay $0x1  }
0x9a: {  	v2 =	vmul.f32 $2.000000030e-01, v1;
	_ =	sdelay $0x1  }
0x9b: {  	v1 =	vmax.f32 v1, v2  }
0x9c: {  	v1 =	vmul.f32 $1.442695020e+00, v1;
	_ =	sdelay $0x1  }
0x9d: {  	(erf) = vpow2.f32 v1;
	_ =	sdelay $0x5  }
0x9e: {  	s17 =	simm.s32 $0x8810;
	s18 =	simm.s32 $0x4B00;
	s16 =	simm.s32 $0x0  }
.LBB2_7:
0x9f: {  	s16 =	sadd.s32 $0x4, s16;
	s15 =	sadd.s32 $0x20, s15;
	s14 =	sadd.s32 $0x200, s14  }
0xa0: {  	p0 =	slt.u32 s16, $0x3C  }
0xa1: {  	v1 =	vpop (erf)  }
0xa2: {  	[tilespmem:s17+$0x8] =	vst v1;
	s17 =	smov.u32 s15  }
0xa3: {  	v1 =	vld [tilespmem:s14+$0xFFFFFF00]  }
0xa4: {  	v2 =	vld [tilespmem:s18+$0xFFFFFF00];
	_ =	sdelay $0x4  }
0xa5: {  	v1 =	vadd.f32 v2, v1;
	_ =	sdelay $0x1  }
0xa6: {  	v2 =	vmul.f32 $2.000000030e-01, v1;
	_ =	sdelay $0x1  }
0xa7: {  	v1 =	vmax.f32 v1, v2  }
0xa8: {  	v1 =	vmul.f32 $1.442695020e+00, v1;
	_ =	sdelay $0x1  }
0xa9: {  	(erf) = vpow2.f32 v1;
	_ =	sdelay $0x8  }
0xaa: {  	v1 =	vpop (erf)  }
0xab: {  	[tilespmem:s15+$0xFFFFFFF0] =	vst v1  }
0xac: {  	v1 =	vld [tilespmem:s14+$0xFFFFFF80]  }
0xad: {  	v2 =	vld [tilespmem:s18+$0xFFFFFF80];
	_ =	sdelay $0x4  }
0xae: {  	v1 =	vadd.f32 v2, v1;
	_ =	sdelay $0x1  }
0xaf: {  	v2 =	vmul.f32 $2.000000030e-01, v1;
	_ =	sdelay $0x1  }
0xb0: {  	v1 =	vmax.f32 v1, v2  }
0xb1: {  	v1 =	vmul.f32 $1.442695020e+00, v1;
	_ =	sdelay $0x1  }
0xb2: {  	(erf) = vpow2.f32 v1;
	_ =	sdelay $0x8  }
0xb3: {  	v1 =	vpop (erf)  }
0xb4: {  	[tilespmem:s15+$0xFFFFFFF8] =	vst v1  }
0xb5: {  	v1 =	vld [tilespmem:s14+$0x0]  }
0xb6: {  	v2 =	vld [tilespmem:s18+$0x0];
	_ =	sdelay $0x4  }
0xb7: {  	v1 =	vadd.f32 v2, v1;
	_ =	sdelay $0x1  }
0xb8: {  	v2 =	vmul.f32 $2.000000030e-01, v1;
	_ =	sdelay $0x1  }
0xb9: {  	v1 =	vmax.f32 v1, v2  }
0xba: {  	v1 =	vmul.f32 $1.442695020e+00, v1;
	_ =	sdelay $0x1  }
0xbb: {  	(erf) = vpow2.f32 v1;
	_ =	sdelay $0x8  }
0xbc: {  	v1 =	vpop (erf)  }
0xbd: {  	[tilespmem:s15+$0x0] =	vst v1  }
0xbe: {  	v1 =	vld [tilespmem:s14+$0x80]  }
0xbf: {  	v2 =	vld [tilespmem:s18+$0x80];
	_ =	sdelay $0x4  }
0xc0: {  	v1 =	vadd.f32 v2, v1;
	_ =	sdelay $0x1  }
0xc1: {  	v2 =	vmul.f32 $2.000000030e-01, v1;
	_ =	sdelay $0x1  }
0xc2: {  	v1 =	vmax.f32 v1, v2  }
0xc3: {  	v1 =	vmul.f32 $1.442695020e+00, v1;
	_ =	sdelay $0x1  }
0xc4: {  	(erf) = vpow2.f32 v1;
	_ =	sdelay $0x1  }
.Ltmp2:
0xc5: {  	(pc) =	sbr.rel @p0 .LBB2_7-.Ltmp2, $2  }
0xc6: {  	_ =	sdelay $0x2  }
0xc7: {  	s18 =	sadd.s32 $0x200, s18  }
0xc8: {  	_ =	sdelay $0x1  }
0xc9: {  	v1 =	vpop (erf)  }
0xca: {  	s14 =	simm.s32 $0x2980;
	[tilespmem:s17+$0x8] =	vst v1  }
0xcb: {  	[tilespmem:s29], [sflag:$0x1] =	stream.indirect.gather [hbm4b:s1+s13], $0x80, s5, s13, $0xb8;
	[tilespmem:$0x1F000] =	vst v63  }
0xcc: {  	s16 =	simm.s32 $0x6980;
	v1 =	vld [tilespmem:s14+$0xFFFFFE80]  }
0xcd: {  	v2 =	vld [tilespmem:s16+$0xFFFFFE80];
	_ =	sdelay $0x4  }
0xce: {  	v1 =	vadd.f32 v2, v1;
	_ =	sdelay $0x1  }
0xcf: {  	v2 =	vmul.f32 $2.000000030e-01, v1;
	_ =	sdelay $0x1  }
0xd0: {  	v1 =	vmax.f32 v1, v2  }
0xd1: {  	v1 =	vmul.f32 $1.442695020e+00, v1;
	_ =	sdelay $0x1  }
0xd2: {  	(erf) = vpow2.f32 v1;
	_ =	sdelay $0x8  }
0xd3: {  	s15 =	simm.s32 $0x8A18;
	v1 =	vpop (erf)  }
0xd4: {  	[tilespmem:s15+$0xFFFFFFE8] =	vst v1  }
0xd5: {  	v1 =	vld [tilespmem:s14+$0xFFFFFF00]  }
0xd6: {  	v2 =	vld [tilespmem:s16+$0xFFFFFF00];
	_ =	sdelay $0x4  }
0xd7: {  	v1 =	vadd.f32 v2, v1;
	_ =	sdelay $0x1  }
0xd8: {  	v2 =	vmul.f32 $2.000000030e-01, v1;
	_ =	sdelay $0x1  }
0xd9: {  	v1 =	vmax.f32 v1, v2  }
0xda: {  	v1 =	vmul.f32 $1.442695020e+00, v1;
	_ =	sdelay $0x1  }
0xdb: {  	(erf) = vpow2.f32 v1;
	_ =	sdelay $0x8  }
0xdc: {  	v1 =	vpop (erf)  }
0xdd: {  	[tilespmem:s15+$0xFFFFFFF0] =	vst v1  }
0xde: {  	v1 =	vld [tilespmem:s14+$0xFFFFFF80]  }
0xdf: {  	v2 =	vld [tilespmem:s16+$0xFFFFFF80];
	_ =	sdelay $0x4  }
0xe0: {  	v1 =	vadd.f32 v2, v1;
	_ =	sdelay $0x1  }
0xe1: {  	v2 =	vmul.f32 $2.000000030e-01, v1;
	_ =	sdelay $0x1  }
0xe2: {  	v1 =	vmax.f32 v1, v2  }
0xe3: {  	v1 =	vmul.f32 $1.442695020e+00, v1;
	_ =	sdelay $0x1  }
0xe4: {  	(erf) = vpow2.f32 v1;
	_ =	sdelay $0x8  }
0xe5: {  	v1 =	vpop (erf)  }
0xe6: {  	[tilespmem:s15+$0xFFFFFFF8] =	vst v1  }
0xe7: {  	v1 =	vld [tilespmem:s14+$0x0]  }
0xe8: {  	v2 =	vld [tilespmem:s16+$0x0];
	_ =	sdelay $0x4  }
0xe9: {  	v1 =	vadd.f32 v2, v1;
	_ =	sdelay $0x1  }
0xea: {  	v2 =	vmul.f32 $2.000000030e-01, v1;
	_ =	sdelay $0x1  }
0xeb: {  	v1 =	vmax.f32 v1, v2  }
0xec: {  	v1 =	vmul.f32 $1.442695020e+00, v1;
	_ =	sdelay $0x1  }
0xed: {  	(erf) = vpow2.f32 v1;
	_ =	sdelay $0x5  }
0xee: {  	s18 =	simm.s32 $0x6B80;
	s17 =	simm.s32 $0x8A18;
	s16 =	simm.s32 $0x40  }
.LBB2_9:
0xef: {  	s16 =	sadd.s32 $0x4, s16;
	s15 =	sadd.s32 $0x20, s15;
	s14 =	sadd.s32 $0x200, s14  }
0xf0: {  	p0 =	slt.u32 s16, $0x7C  }
0xf1: {  	v1 =	vpop (erf)  }
0xf2: {  	[tilespmem:s17+$0x0] =	vst v1;
	s17 =	smov.u32 s15  }
0xf3: {  	v1 =	vld [tilespmem:s14+$0xFFFFFE80]  }
0xf4: {  	v2 =	vld [tilespmem:s18+$0xFFFFFE80];
	_ =	sdelay $0x4  }
0xf5: {  	v1 =	vadd.f32 v2, v1;
	_ =	sdelay $0x1  }
0xf6: {  	v2 =	vmul.f32 $2.000000030e-01, v1;
	_ =	sdelay $0x1  }
0xf7: {  	v1 =	vmax.f32 v1, v2  }
0xf8: {  	v1 =	vmul.f32 $1.442695020e+00, v1;
	_ =	sdelay $0x1  }
0xf9: {  	(erf) = vpow2.f32 v1;
	_ =	sdelay $0x8  }
0xfa: {  	v1 =	vpop (erf)  }
0xfb: {  	[tilespmem:s15+$0xFFFFFFE8] =	vst v1  }
0xfc: {  	v1 =	vld [tilespmem:s14+$0xFFFFFF00]  }
0xfd: {  	v2 =	vld [tilespmem:s18+$0xFFFFFF00];
	_ =	sdelay $0x4  }
0xfe: {  	v1 =	vadd.f32 v2, v1;
	_ =	sdelay $0x1  }
0xff: {  	v2 =	vmul.f32 $2.000000030e-01, v1;
	_ =	sdelay $0x1  }
0x100: {  	v1 =	vmax.f32 v1, v2  }
0x101: {  	v1 =	vmul.f32 $1.442695020e+00, v1;
	_ =	sdelay $0x1  }
0x102: {  	(erf) = vpow2.f32 v1;
	_ =	sdelay $0x8  }
0x103: {  	v1 =	vpop (erf)  }
0x104: {  	[tilespmem:s15+$0xFFFFFFF0] =	vst v1  }
0x105: {  	v1 =	vld [tilespmem:s14+$0xFFFFFF80]  }
0x106: {  	v2 =	vld [tilespmem:s18+$0xFFFFFF80];
	_ =	sdelay $0x4  }
0x107: {  	v1 =	vadd.f32 v2, v1;
	_ =	sdelay $0x1  }
0x108: {  	v2 =	vmul.f32 $2.000000030e-01, v1;
	_ =	sdelay $0x1  }
0x109: {  	v1 =	vmax.f32 v1, v2  }
0x10a: {  	v1 =	vmul.f32 $1.442695020e+00, v1;
	_ =	sdelay $0x1  }
0x10b: {  	(erf) = vpow2.f32 v1;
	_ =	sdelay $0x8  }
0x10c: {  	v1 =	vpop (erf)  }
0x10d: {  	[tilespmem:s15+$0xFFFFFFF8] =	vst v1  }
0x10e: {  	v1 =	vld [tilespmem:s14+$0x0]  }
0x10f: {  	v2 =	vld [tilespmem:s18+$0x0];
	_ =	sdelay $0x4  }
0x110: {  	v1 =	vadd.f32 v2, v1;
	_ =	sdelay $0x1  }
0x111: {  	v2 =	vmul.f32 $2.000000030e-01, v1;
	_ =	sdelay $0x1  }
0x112: {  	v1 =	vmax.f32 v1, v2  }
0x113: {  	v1 =	vmul.f32 $1.442695020e+00, v1;
	_ =	sdelay $0x1  }
0x114: {  	(erf) = vpow2.f32 v1;
	_ =	sdelay $0x1  }
.Ltmp3:
0x115: {  	(pc) =	sbr.rel @p0 .LBB2_9-.Ltmp3, $2  }
0x116: {  	_ =	sdelay $0x2  }
0x117: {  	s18 =	sadd.s32 $0x200, s18  }
0x118: {  	_ =	sdelay $0x1  }
0x119: {  	v1 =	vpop (erf)  }
0x11a: {  	s14 =	simm.s32 $0x2800;
	[tilespmem:s17+$0x0] =	vst v1  }
0x11b: {  	[tilespmem:s14], [sflag:$0x1] =	stream.indirect.gather [hbm4b:s1+s13], $0x80, s13, s13, $0xb8;
	[tilespmem:$0x1F000] =	vst v63  }
0x11c: {  	s16 =	simm.s32 $0x100  }
0x11d: {  	[spmem:s3] =	stream.indirect.scatter.add.f32 [tilespmem:s31], [sflag:$0x2], $0x1, s16, s4, $0xb8;
	[tilespmem:$0x1F000] =	vst v63  }
0x11e: {  	s15 =	simm.s32 $0x8880;
	s17 =	simm.s32 $0x180  }
0x11f: {  	[spmem:s3] =	stream.indirect.scatter.add.f32 [tilespmem:s15], [sflag:$0x2], $0x1, s17, s4, $0xb8;
	[tilespmem:$0x1F000] =	vst v63  }
0x120: {  	s18 =	simm.s32 $0x200  }
0x121: {  	[spmem:s3] =	stream.indirect.scatter.add.f32 [tilespmem:s19], [sflag:$0x2], $0x1, s18, s4, $0xb8;
	[tilespmem:$0x1F000] =	vst v63  }
0x122: {  	_ = 	snop  }
0x123: {  	[spmem:s3] =	stream.indirect.scatter.add.f32 [tilespmem:s21], [sflag:$0x2], $0x1, s20, s4, $0xb8;
	[tilespmem:$0x1F000] =	vst v63  }
0x124: {  	_ = 	snop  }
0x125: {  	[spmem:s3] =	stream.indirect.scatter.add.f32 [tilespmem:s24], [sflag:$0x2], $0x1, s23, s4, $0xb8;
	[tilespmem:$0x1F000] =	vst v63  }
0x126: {  	_ = 	snop  }
0x127: {  	[spmem:s3] =	stream.indirect.scatter.add.f32 [tilespmem:s26], [sflag:$0x2], $0x1, s25, s4, $0xb8;
	[tilespmem:$0x1F000] =	vst v63  }
0x128: {  	_ = 	snop  }
0x129: {  	[spmem:s3] =	stream.indirect.scatter.add.f32 [tilespmem:s9], [sflag:$0x2], $0x1, s28, s4, $0xb8;
	[tilespmem:$0x1F000] =	vst v63  }
0x12a: {  	_ = 	snop  }
0x12b: {  	[spmem:s3] =	stream.indirect.scatter.add.f32 [tilespmem:s2], [sflag:$0x2], $0x1, s12, s4, $0xb8;
	[tilespmem:$0x1F000] =	vst v63  }
0x12c: {  	_ =	swait.ge [sflag:s0], $0x2000  }
0x12d: {  	[sflag:s0] =	ssyncset.done $0x0  }
0x12e: {  	[sflag:s0] =	ssyncadd.s32 $0xFFFFE000  }
0x12f: {  	_ =	swait.ge [sflag:s0], $0x2000  }
0x130: {  	[sflag:s0] =	ssyncset.done $0x0  }
0x131: {  	s15 =	simm.s32 $0x8808;
	[sflag:s0] =	ssyncadd.s32 $0xFFFFE000  }
0x132: {  	v2 =	vld [tilespmem:s15+$0xFFFFFFF8]  }
0x133: {  	s14 =	simm.s32 $0x880  }
0x134: {  	v4 =	vld [tilespmem:s14+$0xFFFFFFC0]  }
0x135: {  	v5 =	vld [tilespmem:s14+$0xFFFFFF90]  }
0x136: {  	v8 =	vld [tilespmem:s14+$0xFFFFFFB0]  }
0x137: {  	v1 =	vld [tilespmem:s14+$0xFFFFFFE0];
	v6 =	vbroadcast v2, $0x4  }
0x138: {  	v7 =	vld [tilespmem:s14+$0xFFFFFFA0];
	v3 =	vbroadcast v2, $0x0  }
0x139: {  	v10 =	vbroadcast v2, $0x1;
	v11 =	vmul.f32 v4, v6;
	v4 =	vld [tilespmem:s14+$0xFFFFFF80]  }
0x13a: {  	v9 =	vbroadcast v2, $0x2;
	v13 =	vbroadcast v2, $0x3;
	v6 =	vld [tilespmem:s14+$0xFFFFFFF0]  }
0x13b: {  	v12 =	vmul.f32 v5, v10;
	v5 =	vbroadcast v2, $0x5  }
0x13c: {  	s16 =	simm.s32 $0x8808;
	s17 =	simm.s32 $0x0;
	s18 =	simm.s32 $0x880;
	v10 =	vmul.f32 v8, v13;
	v8 =	vld [tilespmem:s14+$0xFFFFFFD0];
	[tilespmem:s14+$0xFFFFFFC0] =	vst v11;
	v11 =	vbroadcast v2, $0x6  }
.LBB2_11:
0x13d: {  	s17 =	sadd.s32 $0x2, s17;
	[tilespmem:s14+$0xFFFFFF90] =	vst v12;
	v7 =	vmul.f32 v7, v9;
	v2 =	vbroadcast v2, $0x7;
	s15 =	sadd.s32 $0x10, s15;
	s18 =	sadd.s32 $0x100, s18  }
0x13e: {  	p0 =	slt.u32 s17, $0x7E;
	v3 =	vmul.f32 v3, v4;
	[tilespmem:s14+$0xFFFFFFB0] =	vst v10;
	v1 =	vmul.f32 v1, v11  }
0x13f: {  	[tilespmem:s14+$0xFFFFFFA0] =	vst v7;
	v2 =	vmul.f32 v6, v2  }
0x140: {  	[tilespmem:s14+$0xFFFFFFE0] =	vst v1  }
0x141: {  	v1 =	vmul.f32 v8, v5;
	[tilespmem:s14+$0xFFFFFFF0] =	vst v2  }
0x142: {  	[tilespmem:s14+$0xFFFFFF80] =	vst v3  }
0x143: {  	[tilespmem:s14+$0xFFFFFFD0] =	vst v1;
	v1 =	vld [tilespmem:s14+$0x10]  }
0x144: {  	v2 =	vld [tilespmem:s16+$0x0];
	s16 =	smov.u32 s15  }
0x145: {  	v3 =	vld [tilespmem:s14+$0x70]  }
0x146: {  	v4 =	vld [tilespmem:s14+$0x0]  }
0x147: {  	v5 =	vld [tilespmem:s14+$0x20]  }
0x148: {  	v6 =	vld [tilespmem:s14+$0x40]  }
0x149: {  	v7 =	vbroadcast v2, $0x0;
	v8 =	vld [tilespmem:s14+$0x30];
	v9 =	vbroadcast v2, $0x7  }
0x14a: {  	v10 =	vbroadcast v2, $0x2;
	v12 =	vbroadcast v2, $0x6;
	v11 =	vld [tilespmem:s14+$0x60]  }
0x14b: {  	v4 =	vmul.f32 v7, v4;
	v7 =	vbroadcast v2, $0x4;
	v13 =	vld [tilespmem:s14+$0x50]  }
0x14c: {  	v5 =	vmul.f32 v5, v10;
	v10 =	vbroadcast v2, $0x3  }
0x14d: {  	[tilespmem:s14+$0x0] =	vst v4;
	v4 =	vbroadcast v2, $0x1;
	v6 =	vmul.f32 v6, v7  }
0x14e: {  	v2 =	vbroadcast v2, $0x5;
	[tilespmem:s14+$0x20] =	vst v5;
	v5 =	vmul.f32 v8, v10  }
0x14f: {  	v3 =	vmul.f32 v3, v9;
	[tilespmem:s14+$0x40] =	vst v6;
	v6 =	vmul.f32 v11, v12  }
0x150: {  	v1 =	vmul.f32 v1, v4;
	[tilespmem:s14+$0x30] =	vst v5;
	v2 =	vmul.f32 v13, v2  }
0x151: {  	[tilespmem:s14+$0x70] =	vst v3  }
0x152: {  	[tilespmem:s14+$0x10] =	vst v1  }
0x153: {  	[tilespmem:s14+$0x60] =	vst v6  }
0x154: {  	[tilespmem:s14+$0x50] =	vst v2;
	s14 =	smov.u32 s18  }
0x155: {  	v2 =	vld [tilespmem:s15+$0xFFFFFFF8]  }
0x156: {  	v1 =	vld [tilespmem:s18+$0xFFFFFFE0]  }
0x157: {  	v5 =	vld [tilespmem:s18+$0xFFFFFFC0]  }
0x158: {  	v8 =	vld [tilespmem:s18+$0xFFFFFF90]  }
0x159: {  	v10 =	vld [tilespmem:s18+$0xFFFFFFB0]  }
.Ltmp4:
0x15a: {  	v3 =	vbroadcast v2, $0x0;
	v7 =	vld [tilespmem:s18+$0xFFFFFFA0];
	v6 =	vbroadcast v2, $0x4;
	(pc) =	sbr.rel @p0 .LBB2_11-.Ltmp4, $4  }
0x15b: {  	v11 =	vbroadcast v2, $0x1;
	v9 =	vbroadcast v2, $0x2;
	v4 =	vld [tilespmem:s18+$0xFFFFFF80]  }
0x15c: {  	v13 =	vbroadcast v2, $0x3;
	v14 =	vmul.f32 v5, v6;
	v6 =	vld [tilespmem:s18+$0xFFFFFFF0]  }
0x15d: {  	v5 =	vbroadcast v2, $0x5;
	v12 =	vmul.f32 v8, v11  }
0x15e: {  	v11 =	vbroadcast v2, $0x6;
	v10 =	vmul.f32 v10, v13;
	[tilespmem:s18+$0xFFFFFFC0] =	vst v14;
	v8 =	vld [tilespmem:s18+$0xFFFFFFD0]  }
0x15f: {  	[tilespmem:s14+$0xFFFFFF90] =	vst v12;
	v7 =	vmul.f32 v7, v9  }
0x160: {  	v2 =	vbroadcast v2, $0x7;
	[tilespmem:s14+$0xFFFFFFB0] =	vst v10;
	v1 =	vmul.f32 v1, v11  }
0x161: {  	v3 =	vmul.f32 v3, v4;
	[tilespmem:s14+$0xFFFFFFA0] =	vst v7  }
0x162: {  	v2 =	vmul.f32 v6, v2;
	[tilespmem:s14+$0xFFFFFFE0] =	vst v1  }
0x163: {  	[tilespmem:s14+$0xFFFFFF80] =	vst v3;
	v1 =	vmul.f32 v8, v5  }
0x164: {  	[tilespmem:s14+$0xFFFFFFF0] =	vst v2  }
0x165: {  	[tilespmem:s14+$0xFFFFFFD0] =	vst v1  }
0x166: {  	v1 =	vld [tilespmem:s16+$0x0];
	_ =	sdelay $0x2  }
0x167: {  	v2 =	vld [tilespmem:s14+$0x0]  }
0x168: {  	v3 =	vld [tilespmem:s14+$0x20]  }
0x169: {  	v56 =	vld [tilespmem:s14+$0x10];
	v52 =	vbroadcast v1, $0x0;
	v55 =	vbroadcast v1, $0x2  }
0x16a: {  	v61 =	vld [tilespmem:s14+$0x50];
	v57 =	vbroadcast v1, $0x4;
	v59 =	vbroadcast v1, $0x3  }
0x16b: {  	v51 =	vld [tilespmem:s14+$0x40];
	v60 =	vbroadcast v1, $0x7;
	v62 =	vbroadcast v1, $0x1  }
0x16c: {  	v53 =	vld [tilespmem:s14+$0x30];
	v63 =	vbroadcast v1, $0x6;
	v2 =	vmul.f32 v52, v2  }
0x16d: {  	v54 =	vld [tilespmem:s14+$0x70];
	v1 =	vbroadcast v1, $0x5;
	v3 =	vmul.f32 v3, v55  }
0x16e: {  	v58 =	vld [tilespmem:s14+$0x60];
	v4 =	vmul.f32 v56, v62;
	[tilespmem:s14+$0x0] =	vst v2  }
0x16f: {  	v1 =	vmul.f32 v61, v1;
	[tilespmem:s14+$0x20] =	vst v3  }
0x170: {  	v2 =	vmul.f32 v51, v57;
	[tilespmem:s14+$0x10] =	vst v4  }
0x171: {  	v3 =	vmul.f32 v53, v59;
	[tilespmem:s14+$0x50] =	vst v1  }
0x172: {  	[tilespmem:s14+$0x40] =	vst v2;
	v2 =	vmul.f32 v54, v60  }
0x173: {  	[tilespmem:s14+$0x30] =	vst v3;
	v3 =	vmul.f32 v58, v63  }
0x174: {  	[tilespmem:s14+$0x70] =	vst v2  }
0x175: {  	s18 =	rddreg [dreg:$0x2];
	[tilespmem:s14+$0x60] =	vst v3  }
0x176: {  	[spmem:s18] =	stream.indirect.scatter.add.f32 [tilespmem:s29], [sflag:$0x3], $0x80, s4, s4, $0xb8;
	[tilespmem:$0x1F000] =	vst v63  }
0x177: {  	_ =	swait.ge [sflag:s30], $0x4000  }
0x178: {  	[sflag:s30] =	ssyncset.done $0x0  }
0x179: {  	[sflag:s30] =	ssyncadd.s32 $0xFFFFC000  }
0x17a: {  	_ =	swait.ge [sflag:s11], $0x80  }
0x17b: {  	[sflag:s11] =	ssyncset.done $0x0  }
0x17c: {  	[sflag:s11] =	ssyncadd.s32 $0xFFFFFF80  }
0x17d: {  	_ =	swait.ge [sflag:s11], $0x80  }
0x17e: {  	[sflag:s11] =	ssyncset.done $0x0  }
0x17f: {  	[sflag:s11] =	ssyncadd.s32 $0xFFFFFF80  }
0x180: {  	_ =	swait.ge [sflag:s11], $0x80  }
0x181: {  	[sflag:s11] =	ssyncset.done $0x0  }
0x182: {  	[sflag:s11] =	ssyncadd.s32 $0xFFFFFF80  }
0x183: {  	_ =	swait.ge [sflag:s11], $0x80  }
0x184: {  	[sflag:s11] =	ssyncset.done $0x0  }
0x185: {  	[sflag:s11] =	ssyncadd.s32 $0xFFFFFF80  }
0x186: {  	_ =	swait.ge [sflag:s11], $0x80  }
0x187: {  	[sflag:s11] =	ssyncset.done $0x0  }
0x188: {  	[sflag:s11] =	ssyncadd.s32 $0xFFFFFF80  }
0x189: {  	_ =	swait.ge [sflag:s11], $0x80  }
0x18a: {  	[sflag:s11] =	ssyncset.done $0x0  }
0x18b: {  	s10 =	sadd.s32 $0x1, s10;
	[sflag:s11] =	ssyncadd.s32 $0xFFFFFF80  }
0x18c: {  	p0 =	sne.s32 s10, $0x51;
	_ =	swait.ge [sflag:s11], $0x80  }
.Ltmp5:
0x18d: {  	[sflag:s11] =	ssyncset.done $0x0;
	(pc) =	sbr.rel @p0 .LBB2_6-.Ltmp5, $4  }
0x18e: {  	[sflag:s11] =	ssyncadd.s32 $0xFFFFFF80  }
0x18f: {  	_ =	swait.ge [sflag:s11], $0x80  }
0x190: {  	[sflag:s11] =	ssyncset.done $0x0  }
0x191: {  	[sflag:s11] =	ssyncadd.s32 $0xFFFFFF80  }
0x192: {  	s10 =	stileid.u32;
	[bflag:$0x0] =	sbarrier.arrive $0xFFFF  }
0x193: {  	s10 =	sshll.u32 s10, $0x6;
	s17 =	rddreg [dreg:$0x5]  }
0x194: {  	s15 =	rddreg [dreg:$0x12];
	s10 =	sor.u32 $0x1C03, s10;
	s14 =	sshrl.u32 s17, $0x3  }
0x195: {  	[hbm:s15], [sflag:s10] =	dma.local [spmem:s14], $0x2780  }
0x196: {  	s16 =	simm.s32 $0x20;
	_ =	swait.ge [sflag:s30], $0x2780  }
0x197: {  	s19 =	simm.s32 $0x10;
	[sflag:s30] =	ssyncset.done $0x0;
	s18 =	rddreg [dreg:$0x8]  }
0x198: {  	s15 =	rddreg [dreg:$0x13];
	[sflag:s30] =	ssyncadd.s32 $0xFFFFD880;
	s14 =	sshrl.u32 s18, $0x3  }
0x199: {  	[hbm:s15@s16], [sflag:s10] =	dma.strided [spmem:s14@s19], $0x4F0, s0, $0x10   }
0x19a: {  	_ =	swait.ge [sflag:s30], $0x4F0  }
0x19b: {  	s15 =	rddreg [dreg:$0x17]  }
0x19c: {  	s16 =	rddreg [dreg:$0x14];
	s14 =	sadd.s32 $0x1, s15  }
0x19d: {  	p0 =	sne.s32 s14, s16  }
.Ltmp6:
0x19e: {  	_ = 	snop;
	(pc) =	sbr.rel @p0 .LBB2_1-.Ltmp6, $3  }
0x19f: {  	_ =	sdelay $0x1  }
0x1a0: {  	[sflag:s30] =	ssyncset.done $0x0  }
0x1a1: {  	s19 =	simm.s32 $0x8900;
	[sflag:s30] =	ssyncadd.s32 $0xFFFFFB10  }
0x1a2: {  	_ =	sfence.sel $0x180000  }
0x1a3: {  	[bflag:$0x0] =	sbarrier.arrive $0xFFFF  }
0x1a4: {  	_ =	strace $0x90000047  }
0x1a5: {  	s0 =	stileid.u32;
	[bflag:$0x2] =	sbarrier.arrive $0xFFFF  }
0x1a6: {  	p0 =	sne.s32 s0, $0x0;
	s0 =	rddreg [dreg:$0x4]  }
0x1a7: {  	s0 =	sadd.s32 @!p0 $0x100000, s0  }
0x1a8: {  	[sflag:s0] =	ssyncadd.tile.s32 @!p0 $0x1;
	_ =	shalt  }
.Lfunc_end2:
_tile_overlayer_lowered:
.L_overlay_start_2:
0x1a9: {  	(tag) =	ssettag $0x2  }
0x1aa: {  	s0 =	rddreg [dreg:$0x0];
	s2 =	stileid.u32  }
0x1ab: {  	s1 =	rddreg [dreg:$0x1];
	p0 =	sne.s32 s2, $0x0  }
0x1ac: {  	s3 =	rddreg [dreg:$0x2];
	[bflag:$0x3] =	sbarrier.arrive $0xFFFF;
	s2 =	simm.s32 @!p0 $0x1C03  }
0x1ad: {  	[timem:s3], [sflag:s2] =	dma.local @!p0 [hbm:s0], s1  }
0x1ae: {  	s0 =	simm.s32 @!p0 $0x3  }
0x1af: {  	_ =	swait.ge @!p0 [sflag:s0], s1  }
0x1b0: {  	s1 =	ssub.s32 @!p0 $0x0, s1;
	[sflag:s0] =	ssyncset.done @!p0 $0x0  }
0x1b1: {  	[sflag:s0] =	ssyncadd.s32 @!p0 s1  }
0x1b2: {  	[bflag:$0x3] =	sbarrier.arrive $0xFFFF  }
0x1b3: {  	_ =	shalt  }

</sc_bundles>
